<compile_context>
chip_gen: v7x
topology: tpu7x:2x2x1
jax: 0.10.2.dev20260603
libtpu: 0.0.44.dev20260713+nightly
codegen_flags: <defaults>
</compile_context>

<pallas_src>
import functools

import jax
import jax.numpy as jnp
from jax import lax
from jax.experimental import pallas as pl
from jax.experimental.pallas import tpu as pltpu
from jax.experimental.pallas import tpu_sc as plsc

N_NODES = 10000
N_EDGES = 320000
D = 128

NC = 2
NS = 16
L = 16
NW = NC * NS
EPW = N_EDGES // NW
K = 80
NCH = EPW // K
NP = 10240
RPT = NP // NS

_mesh = plsc.VectorSubcoreMesh(core_axis_name="c", subcore_axis_name="s")


@functools.partial(
    pl.kernel,
    out_type=jax.ShapeDtypeStruct((2 * NW * N_NODES,), jnp.float32),
    mesh=_mesh,
    scratch_types=[
        pltpu.VMEM((EPW,), jnp.int32),
        pltpu.VMEM((EPW,), jnp.int32),
        pltpu.VMEM((N_NODES,), jnp.float32),
        pltpu.VMEM((N_NODES,), jnp.float32),
    ],
    compiler_params=pltpu.CompilerParams(needs_layout_passes=False),
)
def _deg_kernel(src_hbm, dst_hbm, out_hbm, si_all, di_all, degs_v, degd_v):
    c = lax.axis_index("c")
    s = lax.axis_index("s")
    wid = s * NC + c
    base = wid * EPW
    pltpu.sync_copy(src_hbm.at[pl.ds(base, EPW)], si_all)
    pltpu.sync_copy(dst_hbm.at[pl.ds(base, EPW)], di_all)

    zeros16 = jnp.zeros((L,), jnp.float32)
    ones16 = jnp.ones((L,), jnp.float32)

    def zero_body(i, _):
        degs_v[pl.ds(i * L, L)] = zeros16
        degd_v[pl.ds(i * L, L)] = zeros16
        return _

    lax.fori_loop(0, N_NODES // L, zero_body, None)

    def vec(j, _):
        plsc.addupdate_scatter(degs_v, [si_all[pl.ds(j * L, L)]], ones16)
        plsc.addupdate_scatter(degd_v, [di_all[pl.ds(j * L, L)]], ones16)
        return _

    lax.fori_loop(0, EPW // L, vec, None)

    pltpu.sync_copy(degs_v, out_hbm.at[pl.ds(wid * N_NODES, N_NODES)])
    pltpu.sync_copy(
        degd_v, out_hbm.at[pl.ds((NW + wid) * N_NODES, N_NODES)]
    )


def _dense1_body(h_ref, w_ref, degp_ref, hs_ref, iscale_ref):
    out_deg = jnp.maximum(jnp.sum(degp_ref[0], axis=0), 1.0)
    in_deg = jnp.maximum(jnp.sum(degp_ref[1], axis=0), 1.0)
    hsc = h_ref[...] * lax.rsqrt(out_deg)[:, None]
    hs_ref[0:N_NODES, :] = jnp.dot(
        hsc, w_ref[...], preferred_element_type=jnp.float32
    )
    iscale_ref[...] = lax.rsqrt(in_deg)[:, None]


_dense1 = pl.pallas_call(
    _dense1_body,
    out_shape=(
        jax.ShapeDtypeStruct((NP, D), jnp.float32),
        jax.ShapeDtypeStruct((N_NODES, 1), jnp.float32),
    ),
)


KM = 80
NCHM = EPW // KM
NSLOT = 4
NGM = (NCHM - 1) // NSLOT


@functools.partial(
    pl.kernel,
    out_type=jax.ShapeDtypeStruct((2, NP, D), jnp.float32),
    mesh=_mesh,
    scratch_types=(
        [pltpu.VMEM((KM,), jnp.int32) for _ in range(NSLOT)]
        + [pltpu.VMEM((KM,), jnp.int32) for _ in range(NSLOT)]
        + [pltpu.VMEM((KM, D), jnp.float32) for _ in range(NSLOT)]
        + [pltpu.VMEM_SHARED((NP, D), jnp.float32)]
        + [pltpu.SemaphoreType.DMA for _ in range(3 * NSLOT)]
    ),
    compiler_params=pltpu.CompilerParams(needs_layout_passes=False),
)
def _msg_kernel(hs_hbm, src_hbm, dst_hbm, out_hbm, *scr):
    si = scr[0:NSLOT]
    di = scr[NSLOT:2 * NSLOT]
    rows = scr[2 * NSLOT:3 * NSLOT]
    acc_sh = scr[3 * NSLOT]
    gs = scr[3 * NSLOT + 1:3 * NSLOT + 1 + NSLOT]
    ss = scr[3 * NSLOT + 1 + NSLOT:3 * NSLOT + 1 + 2 * NSLOT]
    isem = scr[3 * NSLOT + 1 + 2 * NSLOT:3 * NSLOT + 1 + 3 * NSLOT]

    c = lax.axis_index("c")
    s = lax.axis_index("s")
    wid = s * NC + c
    base = wid * EPW

    zeros16 = jnp.zeros((L,), jnp.float32)

    def zrow(i, _):
        for j in range(D // L):
            rows[0][i, pl.ds(j * L, L)] = zeros16
        return _

    lax.fori_loop(0, KM, zrow, None)

    row0 = s * RPT

    def zacc(t, _):
        pltpu.sync_copy(rows[0], acc_sh.at[pl.ds(row0 + t * KM, KM)])
        return _

    lax.fori_loop(0, RPT // KM, zacc, None)
    plsc.subcore_barrier()

    def src_sl(i):
        return src_hbm.at[pl.ds(base + i * KM, KM)]

    def dst_sl(i):
        return dst_hbm.at[pl.ds(base + i * KM, KM)]

    for k in range(NSLOT):
        pltpu.sync_copy(src_sl(k), si[k])
        pltpu.sync_copy(dst_sl(k), di[k])
        pltpu.async_copy(hs_hbm.at[si[k]], rows[k], gs[k])

    def grp(t, _):
        i0 = NSLOT * t
        for k in range(NSLOT):
            pltpu.make_async_copy(hs_hbm.at[si[k]], rows[k], gs[k]).wait()
            pltpu.async_copy(rows[k], acc_sh.at[di[k]], ss[k], add=True)
        for k in range(NSLOT):
            n = jnp.minimum(i0 + k + NSLOT, NCHM - 1)
            pltpu.make_async_copy(rows[k], acc_sh.at[di[k]], ss[k]).wait()
            pltpu.async_copy(src_sl(n), si[k], isem[k])
            pltpu.async_copy(dst_sl(n), di[k], isem[k])
            pltpu.make_async_copy(src_sl(n), si[k], isem[k]).wait()
            pltpu.make_async_copy(dst_sl(n), di[k], isem[k]).wait()
            pltpu.async_copy(hs_hbm.at[si[k]], rows[k], gs[k])
        return _

    lax.fori_loop(0, NGM, grp, None)
    pltpu.make_async_copy(hs_hbm.at[si[0]], rows[0], gs[0]).wait()
    pltpu.async_copy(rows[0], acc_sh.at[di[0]], ss[0], add=True)
    for k in range(1, NSLOT):
        pltpu.make_async_copy(hs_hbm.at[si[k]], rows[k], gs[k]).wait()
    pltpu.make_async_copy(rows[0], acc_sh.at[di[0]], ss[0]).wait()

    plsc.subcore_barrier()
    pltpu.sync_copy(
        acc_sh.at[pl.ds(row0, RPT)], out_hbm.at[c, pl.ds(row0, RPT)]
    )


def _dense2_body(p_ref, iscale_ref, gamma_ref, beta_ref, y_ref):
    agg = (p_ref[0, 0:N_NODES, :] + p_ref[1, 0:N_NODES, :]) * iscale_ref[...]
    mean = jnp.mean(agg, axis=0)
    var = jnp.mean(jnp.square(agg - mean), axis=0)
    y_ref[...] = (agg - mean) * lax.rsqrt(var + 1e-5) * gamma_ref[...] + beta_ref[...]


_dense2 = pl.pallas_call(
    _dense2_body,
    out_shape=jax.ShapeDtypeStruct((N_NODES, D), jnp.float32),
)


@jax.jit
def kernel(h, edge_index, W, gamma, beta):
    ei = edge_index.astype(jnp.int32)
    src, dst = ei[0], ei[1]
    degp = _deg_kernel(src, dst).reshape(2, NW, N_NODES)
    hs, iscale = _dense1(h, W, degp)
    parts = _msg_kernel(hs, src, dst)
    return _dense2(parts, iscale, gamma, beta)

# --- scband reference (transcript-rebuilt; emitter-appended) ---
"""Pipeline reference for scband-general-layer-61847529063045 (READ-ONLY COPY).

The authoritative reference and input builder live on the scoring server;
editing this copy changes nothing except your own understanding.
"""

import jax, jax.numpy as jnp
import numpy as np

N_NODES = 10000
N_EDGES = 320000
D_IN = 128
D_OUT = 128


def setup_inputs(seed: int = 0) -> dict:
    key = jax.random.key(seed)
    k1, k2, k3 = jax.random.split(key, 3)
    h = jax.random.normal(k1, (N_NODES, D_IN), dtype=jnp.float32)
    edge_index = jax.random.randint(k2, (2, N_EDGES), 0, N_NODES, dtype=jnp.int64)
    # GCN weight (dgl GraphConv glorot-init weight, bias=False since has_bn=True)
    W = jax.random.normal(k3, (D_IN, D_OUT), dtype=jnp.float32) * (1.0 / np.sqrt(D_IN))
    # BatchNorm1d affine params
    gamma = jnp.ones((D_OUT,), dtype=jnp.float32)
    beta = jnp.zeros((D_OUT,), dtype=jnp.float32)
    return {"h": h, "edge_index": edge_index, "W": W, "gamma": gamma, "beta": beta}


def reference(h, edge_index, W, gamma, beta):
    # GeneralLayer(name='gcnconv'): dgl GraphConv(norm='both', bias=False) -> BatchNorm1d
    src = edge_index[0]
    dst = edge_index[1]
    N = h.shape[0]
    ones = jnp.ones((src.shape[0],), dtype=jnp.float32)
    out_deg = jax.ops.segment_sum(ones, src, num_segments=N)
    in_deg = jax.ops.segment_sum(ones, dst, num_segments=N)
    out_deg = jnp.clip(out_deg, 1.0, None)
    in_deg = jnp.clip(in_deg, 1.0, None)
    # norm='both': scale src features by out_deg^{-1/2}
    hs = h * (out_deg ** -0.5)[:, None]
    # in_feats == out_feats: apply weight first (math-equivalent either order)
    hs = hs @ W
    # message passing: sum over incoming edges (gather + scatter-add)
    msgs = jnp.take(hs, src, axis=0)
    agg = jnp.zeros((N, hs.shape[1]), dtype=hs.dtype).at[dst].add(msgs)
    # scale dst by in_deg^{-1/2}
    agg = agg * (in_deg ** -0.5)[:, None]
    # BatchNorm1d (training-mode batch stats, eps=1e-5)
    mean = jnp.mean(agg, axis=0)
    var = jnp.var(agg, axis=0)
    y = (agg - mean) / jnp.sqrt(var + 1e-5) * gamma + beta
    return y

if __name__ == "__main__":
    import jax
    _d = setup_inputs()
    print(jax.jit(kernel)(*tuple(_d.values())))

</pallas_src>

<mosaic_0001>
#map = affine_map<(d0, d1) -> (0, 0)>
#map1 = affine_map<(d0, d1) -> (0)>
#map2 = affine_map<(d0, d1) -> (0, 0, 0)>
module attributes {stable_mosaic.version = 14 : i64} {
  func.func @_msg_kernel(%arg0: i32, %arg1: i32, %arg2: memref<10240x128xf32, #tpu.memory_space<hbm>>, %arg3: memref<320000xi32, #tpu.memory_space<hbm>>, %arg4: memref<320000xi32, #tpu.memory_space<hbm>>, %arg5: memref<2x10240x128xf32, #tpu.memory_space<hbm>>, %arg6: memref<80xi32, #tpu.memory_space<vmem>>, %arg7: memref<80xi32, #tpu.memory_space<vmem>>, %arg8: memref<80xi32, #tpu.memory_space<vmem>>, %arg9: memref<80xi32, #tpu.memory_space<vmem>>, %arg10: memref<80xi32, #tpu.memory_space<vmem>>, %arg11: memref<80xi32, #tpu.memory_space<vmem>>, %arg12: memref<80xi32, #tpu.memory_space<vmem>>, %arg13: memref<80xi32, #tpu.memory_space<vmem>>, %arg14: memref<80x128xf32, #tpu.memory_space<vmem>>, %arg15: memref<80x128xf32, #tpu.memory_space<vmem>>, %arg16: memref<80x128xf32, #tpu.memory_space<vmem>>, %arg17: memref<80x128xf32, #tpu.memory_space<vmem>>, %arg18: memref<10240x128xf32, #tpu.memory_space<vmem_shared>>, %arg19: memref<!tpu.dma_semaphore, #tpu.memory_space<semaphore_mem>>, %arg20: memref<!tpu.dma_semaphore, #tpu.memory_space<semaphore_mem>>, %arg21: memref<!tpu.dma_semaphore, #tpu.memory_space<semaphore_mem>>, %arg22: memref<!tpu.dma_semaphore, #tpu.memory_space<semaphore_mem>>, %arg23: memref<!tpu.dma_semaphore, #tpu.memory_space<semaphore_mem>>, %arg24: memref<!tpu.dma_semaphore, #tpu.memory_space<semaphore_mem>>, %arg25: memref<!tpu.dma_semaphore, #tpu.memory_space<semaphore_mem>>, %arg26: memref<!tpu.dma_semaphore, #tpu.memory_space<semaphore_mem>>, %arg27: memref<!tpu.dma_semaphore, #tpu.memory_space<semaphore_mem>>, %arg28: memref<!tpu.dma_semaphore, #tpu.memory_space<semaphore_mem>>, %arg29: memref<!tpu.dma_semaphore, #tpu.memory_space<semaphore_mem>>, %arg30: memref<!tpu.dma_semaphore, #tpu.memory_space<semaphore_mem>>) attributes {dimension_semantics = [#tpu.dimension_semantics<core_parallel>, #tpu.dimension_semantics<subcore_parallel>], iteration_bounds = array<i64: 2, 16>, scalar_prefetch = 0 : i64, scratch_operands = 25 : i64, tpu.core_type = #tpu.core_type<sc_vector_subcore>, window_params = [{transform_indices = #map}, {transform_indices = #map1}, {transform_indices = #map1}, {transform_indices = #map2}]} {
    %mul3A = arith.constant 2 : i32
    %mul3A_0 = arith.muli %arg1, %mul3A : i32
    %add3A = arith.addi %mul3A_0, %arg0 : i32
    %mul3A_1 = arith.constant 10000 : i32
    %mul3A_2 = arith.muli %add3A, %mul3A_1 : i32
    %broadcast_in_dim3A = arith.constant 0.000000e+00 : f32
    %broadcast_in_dim3A_3 = vector.broadcast %broadcast_in_dim3A : f32 to vector<16xf32>
    %scan3A = arith.constant 0 : i32
    %scan3A_4 = arith.constant 80 : i32
    %scan3A_5 = arith.addi %scan3A, %scan3A_4 : i32
    %scan3A_6 = arith.constant 1 : i32
    scf.for %scan3A_65 = %scan3A to %scan3A_5 step %scan3A_6  : i32 {
      %swap3A = arith.index_cast %scan3A_65 : i32 to index
      %swap3A_66 = arith.constant 0 : index
      %swap3A_67 = tpu.vector_load %arg14[%swap3A, %swap3A_66] {strides = array<i32>} : memref<80x128xf32, #tpu.memory_space<vmem>>, vector<16xf32>,
      tpu.vector_store %arg14[%swap3A, %swap3A_66], %broadcast_in_dim3A_3 {strides = array<i32>} : memref<80x128xf32, #tpu.memory_space<vmem>>, vector<16xf32>,
      %swap3A_68 = arith.index_cast %scan3A_65 : i32 to index
      %swap3A_69 = arith.constant 16 : index
      %swap3A_70 = tpu.vector_load %arg14[%swap3A_68, %swap3A_69] {strides = array<i32>} : memref<80x128xf32, #tpu.memory_space<vmem>>, vector<16xf32>,
      tpu.vector_store %arg14[%swap3A_68, %swap3A_69], %broadcast_in_dim3A_3 {strides = array<i32>} : memref<80x128xf32, #tpu.memory_space<vmem>>, vector<16xf32>,
      %swap3A_71 = arith.index_cast %scan3A_65 : i32 to index
      %swap3A_72 = arith.constant 32 : index
      %swap3A_73 = tpu.vector_load %arg14[%swap3A_71, %swap3A_72] {strides = array<i32>} : memref<80x128xf32, #tpu.memory_space<vmem>>, vector<16xf32>,
      tpu.vector_store %arg14[%swap3A_71, %swap3A_72], %broadcast_in_dim3A_3 {strides = array<i32>} : memref<80x128xf32, #tpu.memory_space<vmem>>, vector<16xf32>,
      %swap3A_74 = arith.index_cast %scan3A_65 : i32 to index
      %swap3A_75 = arith.constant 48 : index
      %swap3A_76 = tpu.vector_load %arg14[%swap3A_74, %swap3A_75] {strides = array<i32>} : memref<80x128xf32, #tpu.memory_space<vmem>>, vector<16xf32>,
      tpu.vector_store %arg14[%swap3A_74, %swap3A_75], %broadcast_in_dim3A_3 {strides = array<i32>} : memref<80x128xf32, #tpu.memory_space<vmem>>, vector<16xf32>,
      %swap3A_77 = arith.index_cast %scan3A_65 : i32 to index
      %swap3A_78 = arith.constant 64 : index
      %swap3A_79 = tpu.vector_load %arg14[%swap3A_77, %swap3A_78] {strides = array<i32>} : memref<80x128xf32, #tpu.memory_space<vmem>>, vector<16xf32>,
      tpu.vector_store %arg14[%swap3A_77, %swap3A_78], %broadcast_in_dim3A_3 {strides = array<i32>} : memref<80x128xf32, #tpu.memory_space<vmem>>, vector<16xf32>,
      %swap3A_80 = arith.index_cast %scan3A_65 : i32 to index
      %swap3A_81 = arith.constant 80 : index
      %swap3A_82 = tpu.vector_load %arg14[%swap3A_80, %swap3A_81] {strides = array<i32>} : memref<80x128xf32, #tpu.memory_space<vmem>>, vector<16xf32>,
      tpu.vector_store %arg14[%swap3A_80, %swap3A_81], %broadcast_in_dim3A_3 {strides = array<i32>} : memref<80x128xf32, #tpu.memory_space<vmem>>, vector<16xf32>,
      %swap3A_83 = arith.index_cast %scan3A_65 : i32 to index
      %swap3A_84 = arith.constant 96 : index
      %swap3A_85 = tpu.vector_load %arg14[%swap3A_83, %swap3A_84] {strides = array<i32>} : memref<80x128xf32, #tpu.memory_space<vmem>>, vector<16xf32>,
      tpu.vector_store %arg14[%swap3A_83, %swap3A_84], %broadcast_in_dim3A_3 {strides = array<i32>} : memref<80x128xf32, #tpu.memory_space<vmem>>, vector<16xf32>,
      %swap3A_86 = arith.index_cast %scan3A_65 : i32 to index
      %swap3A_87 = arith.constant 112 : index
      %swap3A_88 = tpu.vector_load %arg14[%swap3A_86, %swap3A_87] {strides = array<i32>} : memref<80x128xf32, #tpu.memory_space<vmem>>, vector<16xf32>,
      tpu.vector_store %arg14[%swap3A_86, %swap3A_87], %broadcast_in_dim3A_3 {strides = array<i32>} : memref<80x128xf32, #tpu.memory_space<vmem>>, vector<16xf32>,
    }
    %scan3A_7 = arith.constant 80 : i32
    %mul3A_8 = arith.constant 640 : i32
    %mul3A_9 = arith.muli %arg1, %mul3A_8 : i32
    %scan3A_10 = arith.constant 0 : i32
    %scan3A_11 = arith.constant 8 : i32
    %scan3A_12 = arith.addi %scan3A_10, %scan3A_11 : i32
    %scan3A_13 = arith.constant 1 : i32
    scf.for %scan3A_65 = %scan3A_10 to %scan3A_12 step %scan3A_13  : i32 {
      %mul3A_66 = arith.constant 80 : i32
      %mul3A_67 = arith.muli %scan3A_65, %mul3A_66 : i32
      %add3A_68 = arith.addi %mul3A_9, %mul3A_67 : i32
      "tpu.region"() ({
        %run_scoped3A = tpu.sem_alloc : memref<!tpu.dma_semaphore, #tpu.memory_space<semaphore_mem>>
        %dma_start3A_69 = arith.constant 0 : i32
        %dma_start3A_70 = tpu.memref_slice %arg18[%add3A_68, %dma_start3A_69] : memref<10240x128xf32, #tpu.memory_space<vmem_shared>> -> memref<80x128xf32, #tpu.memory_space<vmem_shared>>
        %dma_start3A_71 = arith.constant 0 : i32
        %dma_start3A_72 = tpu.memref_slice %arg18[%add3A_68, %dma_start3A_71] : memref<10240x128xf32, #tpu.memory_space<vmem_shared>> -> memref<80x128xf32, #tpu.memory_space<vmem_shared>>
        tpu.enqueue_dma source(%arg14 : memref<80x128xf32, #tpu.memory_space<vmem>>) target(%dma_start3A_72 : memref<80x128xf32, #tpu.memory_space<vmem_shared>>) target_semaphore(%run_scoped3A : memref<!tpu.dma_semaphore, #tpu.memory_space<semaphore_mem>>)
        %dma_wait3A_73 = arith.constant 0 : i32
        %dma_wait3A_74 = tpu.memref_slice %arg18[%add3A_68, %dma_wait3A_73] : memref<10240x128xf32, #tpu.memory_space<vmem_shared>> -> memref<80x128xf32, #tpu.memory_space<vmem_shared>>
        %dma_wait3A_75 = arith.constant 0 : i32
        %dma_wait3A_76 = tpu.memref_slice %arg18[%add3A_68, %dma_wait3A_75] : memref<10240x128xf32, #tpu.memory_space<vmem_shared>> -> memref<80x128xf32, #tpu.memory_space<vmem_shared>>
        tpu.wait_dma2 semaphore(%run_scoped3A : memref<!tpu.dma_semaphore, #tpu.memory_space<semaphore_mem>>) src(%arg14 : memref<80x128xf32, #tpu.memory_space<vmem>>) dst(%dma_wait3A_76 : memref<80x128xf32, #tpu.memory_space<vmem_shared>>)
        tpu.yield
      }) : () -> ()
    }
    %scan3A_14 = arith.constant 8 : i32
    %barrier3A = arith.constant 0 : index
    tpu.barrier barrier_id(%barrier3A)
    %add3A_15 = arith.constant 0 : i32
    %add3A_16 = arith.addi %mul3A_2, %add3A_15 : i32
    "tpu.region"() ({
      %run_scoped3A = tpu.sem_alloc : memref<!tpu.dma_semaphore, #tpu.memory_space<semaphore_mem>>
      %dma_start3A_65 = tpu.memref_slice %arg3[%add3A_16] : memref<320000xi32, #tpu.memory_space<hbm>> -> memref<80xi32, #tpu.memory_space<hbm>>
      %dma_start3A_66 = tpu.memref_slice %arg3[%add3A_16] : memref<320000xi32, #tpu.memory_space<hbm>> -> memref<80xi32, #tpu.memory_space<hbm>>
      tpu.enqueue_dma source(%dma_start3A_66 : memref<80xi32, #tpu.memory_space<hbm>>) target(%arg6 : memref<80xi32, #tpu.memory_space<vmem>>) target_semaphore(%run_scoped3A : memref<!tpu.dma_semaphore, #tpu.memory_space<semaphore_mem>>)
      %dma_wait3A_67 = tpu.memref_slice %arg3[%add3A_16] : memref<320000xi32, #tpu.memory_space<hbm>> -> memref<80xi32, #tpu.memory_space<hbm>>
      %dma_wait3A_68 = tpu.memref_slice %arg3[%add3A_16] : memref<320000xi32, #tpu.memory_space<hbm>> -> memref<80xi32, #tpu.memory_space<hbm>>
      tpu.wait_dma2 semaphore(%run_scoped3A : memref<!tpu.dma_semaphore, #tpu.memory_space<semaphore_mem>>) src(%dma_wait3A_68 : memref<80xi32, #tpu.memory_space<hbm>>) dst(%arg6 : memref<80xi32, #tpu.memory_space<vmem>>)
      tpu.yield
    }) : () -> ()
    %add3A_17 = arith.constant 0 : i32
    %add3A_18 = arith.addi %mul3A_2, %add3A_17 : i32
    "tpu.region"() ({
      %run_scoped3A = tpu.sem_alloc : memref<!tpu.dma_semaphore, #tpu.memory_space<semaphore_mem>>
      %dma_start3A_65 = tpu.memref_slice %arg4[%add3A_18] : memref<320000xi32, #tpu.memory_space<hbm>> -> memref<80xi32, #tpu.memory_space<hbm>>
      %dma_start3A_66 = tpu.memref_slice %arg4[%add3A_18] : memref<320000xi32, #tpu.memory_space<hbm>> -> memref<80xi32, #tpu.memory_space<hbm>>
      tpu.enqueue_dma source(%dma_start3A_66 : memref<80xi32, #tpu.memory_space<hbm>>) target(%arg10 : memref<80xi32, #tpu.memory_space<vmem>>) target_semaphore(%run_scoped3A : memref<!tpu.dma_semaphore, #tpu.memory_space<semaphore_mem>>)
      %dma_wait3A_67 = tpu.memref_slice %arg4[%add3A_18] : memref<320000xi32, #tpu.memory_space<hbm>> -> memref<80xi32, #tpu.memory_space<hbm>>
      %dma_wait3A_68 = tpu.memref_slice %arg4[%add3A_18] : memref<320000xi32, #tpu.memory_space<hbm>> -> memref<80xi32, #tpu.memory_space<hbm>>
      tpu.wait_dma2 semaphore(%run_scoped3A : memref<!tpu.dma_semaphore, #tpu.memory_space<semaphore_mem>>) src(%dma_wait3A_68 : memref<80xi32, #tpu.memory_space<hbm>>) dst(%arg10 : memref<80xi32, #tpu.memory_space<vmem>>)
      tpu.yield
    }) : () -> ()
    %dma_start3A = arith.constant 0 : i32
    %dma_start3A_19 = arith.constant 0 : i32
    %dma_start3A_20 = tpu.memref_slice %arg2[%dma_start3A, %dma_start3A_19] : memref<10240x128xf32, #tpu.memory_space<hbm>> -> memref<10240x128xf32, #tpu.memory_space<hbm>>
    tpu.enqueue_indirect_dma source(%dma_start3A_20 : memref<10240x128xf32, #tpu.memory_space<hbm>>) target(%arg14 : memref<80x128xf32, #tpu.memory_space<vmem>>) offsets(%arg6 : memref<80xi32, #tpu.memory_space<vmem>>) semaphore(%arg19 : memref<!tpu.dma_semaphore, #tpu.memory_space<semaphore_mem>>)
    %add3A_21 = arith.constant 80 : i32
    %add3A_22 = arith.addi %mul3A_2, %add3A_21 : i32
    "tpu.region"() ({
      %run_scoped3A = tpu.sem_alloc : memref<!tpu.dma_semaphore, #tpu.memory_space<semaphore_mem>>
      %dma_start3A_65 = tpu.memref_slice %arg3[%add3A_22] : memref<320000xi32, #tpu.memory_space<hbm>> -> memref<80xi32, #tpu.memory_space<hbm>>
      %dma_start3A_66 = tpu.memref_slice %arg3[%add3A_22] : memref<320000xi32, #tpu.memory_space<hbm>> -> memref<80xi32, #tpu.memory_space<hbm>>
      tpu.enqueue_dma source(%dma_start3A_66 : memref<80xi32, #tpu.memory_space<hbm>>) target(%arg7 : memref<80xi32, #tpu.memory_space<vmem>>) target_semaphore(%run_scoped3A : memref<!tpu.dma_semaphore, #tpu.memory_space<semaphore_mem>>)
      %dma_wait3A_67 = tpu.memref_slice %arg3[%add3A_22] : memref<320000xi32, #tpu.memory_space<hbm>> -> memref<80xi32, #tpu.memory_space<hbm>>
      %dma_wait3A_68 = tpu.memref_slice %arg3[%add3A_22] : memref<320000xi32, #tpu.memory_space<hbm>> -> memref<80xi32, #tpu.memory_space<hbm>>
      tpu.wait_dma2 semaphore(%run_scoped3A : memref<!tpu.dma_semaphore, #tpu.memory_space<semaphore_mem>>) src(%dma_wait3A_68 : memref<80xi32, #tpu.memory_space<hbm>>) dst(%arg7 : memref<80xi32, #tpu.memory_space<vmem>>)
      tpu.yield
    }) : () -> ()
    %add3A_23 = arith.constant 80 : i32
    %add3A_24 = arith.addi %mul3A_2, %add3A_23 : i32
    "tpu.region"() ({
      %run_scoped3A = tpu.sem_alloc : memref<!tpu.dma_semaphore, #tpu.memory_space<semaphore_mem>>
      %dma_start3A_65 = tpu.memref_slice %arg4[%add3A_24] : memref<320000xi32, #tpu.memory_space<hbm>> -> memref<80xi32, #tpu.memory_space<hbm>>
      %dma_start3A_66 = tpu.memref_slice %arg4[%add3A_24] : memref<320000xi32, #tpu.memory_space<hbm>> -> memref<80xi32, #tpu.memory_space<hbm>>
      tpu.enqueue_dma source(%dma_start3A_66 : memref<80xi32, #tpu.memory_space<hbm>>) target(%arg11 : memref<80xi32, #tpu.memory_space<vmem>>) target_semaphore(%run_scoped3A : memref<!tpu.dma_semaphore, #tpu.memory_space<semaphore_mem>>)
      %dma_wait3A_67 = tpu.memref_slice %arg4[%add3A_24] : memref<320000xi32, #tpu.memory_space<hbm>> -> memref<80xi32, #tpu.memory_space<hbm>>
      %dma_wait3A_68 = tpu.memref_slice %arg4[%add3A_24] : memref<320000xi32, #tpu.memory_space<hbm>> -> memref<80xi32, #tpu.memory_space<hbm>>
      tpu.wait_dma2 semaphore(%run_scoped3A : memref<!tpu.dma_semaphore, #tpu.memory_space<semaphore_mem>>) src(%dma_wait3A_68 : memref<80xi32, #tpu.memory_space<hbm>>) dst(%arg11 : memref<80xi32, #tpu.memory_space<vmem>>)
      tpu.yield
    }) : () -> ()
    %dma_start3A_25 = arith.constant 0 : i32
    %dma_start3A_26 = arith.constant 0 : i32
    %dma_start3A_27 = tpu.memref_slice %arg2[%dma_start3A_25, %dma_start3A_26] : memref<10240x128xf32, #tpu.memory_space<hbm>> -> memref<10240x128xf32, #tpu.memory_space<hbm>>
    tpu.enqueue_indirect_dma source(%dma_start3A_27 : memref<10240x128xf32, #tpu.memory_space<hbm>>) target(%arg15 : memref<80x128xf32, #tpu.memory_space<vmem>>) offsets(%arg7 : memref<80xi32, #tpu.memory_space<vmem>>) semaphore(%arg20 : memref<!tpu.dma_semaphore, #tpu.memory_space<semaphore_mem>>)
    %add3A_28 = arith.constant 160 : i32
    %add3A_29 = arith.addi %mul3A_2, %add3A_28 : i32
    "tpu.region"() ({
      %run_scoped3A = tpu.sem_alloc : memref<!tpu.dma_semaphore, #tpu.memory_space<semaphore_mem>>
      %dma_start3A_65 = tpu.memref_slice %arg3[%add3A_29] : memref<320000xi32, #tpu.memory_space<hbm>> -> memref<80xi32, #tpu.memory_space<hbm>>
      %dma_start3A_66 = tpu.memref_slice %arg3[%add3A_29] : memref<320000xi32, #tpu.memory_space<hbm>> -> memref<80xi32, #tpu.memory_space<hbm>>
      tpu.enqueue_dma source(%dma_start3A_66 : memref<80xi32, #tpu.memory_space<hbm>>) target(%arg8 : memref<80xi32, #tpu.memory_space<vmem>>) target_semaphore(%run_scoped3A : memref<!tpu.dma_semaphore, #tpu.memory_space<semaphore_mem>>)
      %dma_wait3A_67 = tpu.memref_slice %arg3[%add3A_29] : memref<320000xi32, #tpu.memory_space<hbm>> -> memref<80xi32, #tpu.memory_space<hbm>>
      %dma_wait3A_68 = tpu.memref_slice %arg3[%add3A_29] : memref<320000xi32, #tpu.memory_space<hbm>> -> memref<80xi32, #tpu.memory_space<hbm>>
      tpu.wait_dma2 semaphore(%run_scoped3A : memref<!tpu.dma_semaphore, #tpu.memory_space<semaphore_mem>>) src(%dma_wait3A_68 : memref<80xi32, #tpu.memory_space<hbm>>) dst(%arg8 : memref<80xi32, #tpu.memory_space<vmem>>)
      tpu.yield
    }) : () -> ()
    %add3A_30 = arith.constant 160 : i32
    %add3A_31 = arith.addi %mul3A_2, %add3A_30 : i32
    "tpu.region"() ({
      %run_scoped3A = tpu.sem_alloc : memref<!tpu.dma_semaphore, #tpu.memory_space<semaphore_mem>>
      %dma_start3A_65 = tpu.memref_slice %arg4[%add3A_31] : memref<320000xi32, #tpu.memory_space<hbm>> -> memref<80xi32, #tpu.memory_space<hbm>>
      %dma_start3A_66 = tpu.memref_slice %arg4[%add3A_31] : memref<320000xi32, #tpu.memory_space<hbm>> -> memref<80xi32, #tpu.memory_space<hbm>>
      tpu.enqueue_dma source(%dma_start3A_66 : memref<80xi32, #tpu.memory_space<hbm>>) target(%arg12 : memref<80xi32, #tpu.memory_space<vmem>>) target_semaphore(%run_scoped3A : memref<!tpu.dma_semaphore, #tpu.memory_space<semaphore_mem>>)
      %dma_wait3A_67 = tpu.memref_slice %arg4[%add3A_31] : memref<320000xi32, #tpu.memory_space<hbm>> -> memref<80xi32, #tpu.memory_space<hbm>>
      %dma_wait3A_68 = tpu.memref_slice %arg4[%add3A_31] : memref<320000xi32, #tpu.memory_space<hbm>> -> memref<80xi32, #tpu.memory_space<hbm>>
      tpu.wait_dma2 semaphore(%run_scoped3A : memref<!tpu.dma_semaphore, #tpu.memory_space<semaphore_mem>>) src(%dma_wait3A_68 : memref<80xi32, #tpu.memory_space<hbm>>) dst(%arg12 : memref<80xi32, #tpu.memory_space<vmem>>)
      tpu.yield
    }) : () -> ()
    %dma_start3A_32 = arith.constant 0 : i32
    %dma_start3A_33 = arith.constant 0 : i32
    %dma_start3A_34 = tpu.memref_slice %arg2[%dma_start3A_32, %dma_start3A_33] : memref<10240x128xf32, #tpu.memory_space<hbm>> -> memref<10240x128xf32, #tpu.memory_space<hbm>>
    tpu.enqueue_indirect_dma source(%dma_start3A_34 : memref<10240x128xf32, #tpu.memory_space<hbm>>) target(%arg16 : memref<80x128xf32, #tpu.memory_space<vmem>>) offsets(%arg8 : memref<80xi32, #tpu.memory_space<vmem>>) semaphore(%arg21 : memref<!tpu.dma_semaphore, #tpu.memory_space<semaphore_mem>>)
    %add3A_35 = arith.constant 240 : i32
    %add3A_36 = arith.addi %mul3A_2, %add3A_35 : i32
    "tpu.region"() ({
      %run_scoped3A = tpu.sem_alloc : memref<!tpu.dma_semaphore, #tpu.memory_space<semaphore_mem>>
      %dma_start3A_65 = tpu.memref_slice %arg3[%add3A_36] : memref<320000xi32, #tpu.memory_space<hbm>> -> memref<80xi32, #tpu.memory_space<hbm>>
      %dma_start3A_66 = tpu.memref_slice %arg3[%add3A_36] : memref<320000xi32, #tpu.memory_space<hbm>> -> memref<80xi32, #tpu.memory_space<hbm>>
      tpu.enqueue_dma source(%dma_start3A_66 : memref<80xi32, #tpu.memory_space<hbm>>) target(%arg9 : memref<80xi32, #tpu.memory_space<vmem>>) target_semaphore(%run_scoped3A : memref<!tpu.dma_semaphore, #tpu.memory_space<semaphore_mem>>)
      %dma_wait3A_67 = tpu.memref_slice %arg3[%add3A_36] : memref<320000xi32, #tpu.memory_space<hbm>> -> memref<80xi32, #tpu.memory_space<hbm>>
      %dma_wait3A_68 = tpu.memref_slice %arg3[%add3A_36] : memref<320000xi32, #tpu.memory_space<hbm>> -> memref<80xi32, #tpu.memory_space<hbm>>
      tpu.wait_dma2 semaphore(%run_scoped3A : memref<!tpu.dma_semaphore, #tpu.memory_space<semaphore_mem>>) src(%dma_wait3A_68 : memref<80xi32, #tpu.memory_space<hbm>>) dst(%arg9 : memref<80xi32, #tpu.memory_space<vmem>>)
      tpu.yield
    }) : () -> ()
    %add3A_37 = arith.constant 240 : i32
    %add3A_38 = arith.addi %mul3A_2, %add3A_37 : i32
    "tpu.region"() ({
      %run_scoped3A = tpu.sem_alloc : memref<!tpu.dma_semaphore, #tpu.memory_space<semaphore_mem>>
      %dma_start3A_65 = tpu.memref_slice %arg4[%add3A_38] : memref<320000xi32, #tpu.memory_space<hbm>> -> memref<80xi32, #tpu.memory_space<hbm>>
      %dma_start3A_66 = tpu.memref_slice %arg4[%add3A_38] : memref<320000xi32, #tpu.memory_space<hbm>> -> memref<80xi32, #tpu.memory_space<hbm>>
      tpu.enqueue_dma source(%dma_start3A_66 : memref<80xi32, #tpu.memory_space<hbm>>) target(%arg13 : memref<80xi32, #tpu.memory_space<vmem>>) target_semaphore(%run_scoped3A : memref<!tpu.dma_semaphore, #tpu.memory_space<semaphore_mem>>)
      %dma_wait3A_67 = tpu.memref_slice %arg4[%add3A_38] : memref<320000xi32, #tpu.memory_space<hbm>> -> memref<80xi32, #tpu.memory_space<hbm>>
      %dma_wait3A_68 = tpu.memref_slice %arg4[%add3A_38] : memref<320000xi32, #tpu.memory_space<hbm>> -> memref<80xi32, #tpu.memory_space<hbm>>
      tpu.wait_dma2 semaphore(%run_scoped3A : memref<!tpu.dma_semaphore, #tpu.memory_space<semaphore_mem>>) src(%dma_wait3A_68 : memref<80xi32, #tpu.memory_space<hbm>>) dst(%arg13 : memref<80xi32, #tpu.memory_space<vmem>>)
      tpu.yield
    }) : () -> ()
    %dma_start3A_39 = arith.constant 0 : i32
    %dma_start3A_40 = arith.constant 0 : i32
    %dma_start3A_41 = tpu.memref_slice %arg2[%dma_start3A_39, %dma_start3A_40] : memref<10240x128xf32, #tpu.memory_space<hbm>> -> memref<10240x128xf32, #tpu.memory_space<hbm>>
    tpu.enqueue_indirect_dma source(%dma_start3A_41 : memref<10240x128xf32, #tpu.memory_space<hbm>>) target(%arg17 : memref<80x128xf32, #tpu.memory_space<vmem>>) offsets(%arg9 : memref<80xi32, #tpu.memory_space<vmem>>) semaphore(%arg22 : memref<!tpu.dma_semaphore, #tpu.memory_space<semaphore_mem>>)
    %scan3A_42 = arith.constant 0 : i32
    %scan3A_43 = arith.constant 31 : i32
    %scan3A_44 = arith.addi %scan3A_42, %scan3A_43 : i32
    %scan3A_45 = arith.constant 1 : i32
    scf.for %scan3A_65 = %scan3A_42 to %scan3A_44 step %scan3A_45  : i32 {
      %mul3A_66 = arith.constant 4 : i32
      %mul3A_67 = arith.muli %mul3A_66, %scan3A_65 : i32
      %dma_wait3A_68 = arith.constant 0 : i32
      %dma_wait3A_69 = arith.constant 0 : i32
      %dma_wait3A_70 = tpu.memref_slice %arg2[%dma_wait3A_68, %dma_wait3A_69] : memref<10240x128xf32, #tpu.memory_space<hbm>> -> memref<10240x128xf32, #tpu.memory_space<hbm>>
      tpu.wait_indirect_dma semaphore(%arg19 : memref<!tpu.dma_semaphore, #tpu.memory_space<semaphore_mem>>) src(%dma_wait3A_70 : memref<10240x128xf32, #tpu.memory_space<hbm>>) dst(%arg14 : memref<80x128xf32, #tpu.memory_space<vmem>>)
      %dma_start3A_71 = arith.constant 0 : i32
      %dma_start3A_72 = arith.constant 0 : i32
      %dma_start3A_73 = tpu.memref_slice %arg18[%dma_start3A_71, %dma_start3A_72] : memref<10240x128xf32, #tpu.memory_space<vmem_shared>> -> memref<10240x128xf32, #tpu.memory_space<vmem_shared>>
      tpu.enqueue_indirect_dma source(%arg14 : memref<80x128xf32, #tpu.memory_space<vmem>>) target(%dma_start3A_73 : memref<10240x128xf32, #tpu.memory_space<vmem_shared>>) offsets(%arg10 : memref<80xi32, #tpu.memory_space<vmem>>) semaphore(%arg23 : memref<!tpu.dma_semaphore, #tpu.memory_space<semaphore_mem>>) {add = true}
      %dma_wait3A_74 = arith.constant 0 : i32
      %dma_wait3A_75 = arith.constant 0 : i32
      %dma_wait3A_76 = tpu.memref_slice %arg2[%dma_wait3A_74, %dma_wait3A_75] : memref<10240x128xf32, #tpu.memory_space<hbm>> -> memref<10240x128xf32, #tpu.memory_space<hbm>>
      tpu.wait_indirect_dma semaphore(%arg20 : memref<!tpu.dma_semaphore, #tpu.memory_space<semaphore_mem>>) src(%dma_wait3A_76 : memref<10240x128xf32, #tpu.memory_space<hbm>>) dst(%arg15 : memref<80x128xf32, #tpu.memory_space<vmem>>)
      %dma_start3A_77 = arith.constant 0 : i32
      %dma_start3A_78 = arith.constant 0 : i32
      %dma_start3A_79 = tpu.memref_slice %arg18[%dma_start3A_77, %dma_start3A_78] : memref<10240x128xf32, #tpu.memory_space<vmem_shared>> -> memref<10240x128xf32, #tpu.memory_space<vmem_shared>>
      tpu.enqueue_indirect_dma source(%arg15 : memref<80x128xf32, #tpu.memory_space<vmem>>) target(%dma_start3A_79 : memref<10240x128xf32, #tpu.memory_space<vmem_shared>>) offsets(%arg11 : memref<80xi32, #tpu.memory_space<vmem>>) semaphore(%arg24 : memref<!tpu.dma_semaphore, #tpu.memory_space<semaphore_mem>>) {add = true}
      %dma_wait3A_80 = arith.constant 0 : i32
      %dma_wait3A_81 = arith.constant 0 : i32
      %dma_wait3A_82 = tpu.memref_slice %arg2[%dma_wait3A_80, %dma_wait3A_81] : memref<10240x128xf32, #tpu.memory_space<hbm>> -> memref<10240x128xf32, #tpu.memory_space<hbm>>
      tpu.wait_indirect_dma semaphore(%arg21 : memref<!tpu.dma_semaphore, #tpu.memory_space<semaphore_mem>>) src(%dma_wait3A_82 : memref<10240x128xf32, #tpu.memory_space<hbm>>) dst(%arg16 : memref<80x128xf32, #tpu.memory_space<vmem>>)
      %dma_start3A_83 = arith.constant 0 : i32
      %dma_start3A_84 = arith.constant 0 : i32
      %dma_start3A_85 = tpu.memref_slice %arg18[%dma_start3A_83, %dma_start3A_84] : memref<10240x128xf32, #tpu.memory_space<vmem_shared>> -> memref<10240x128xf32, #tpu.memory_space<vmem_shared>>
      tpu.enqueue_indirect_dma source(%arg16 : memref<80x128xf32, #tpu.memory_space<vmem>>) target(%dma_start3A_85 : memref<10240x128xf32, #tpu.memory_space<vmem_shared>>) offsets(%arg12 : memref<80xi32, #tpu.memory_space<vmem>>) semaphore(%arg25 : memref<!tpu.dma_semaphore, #tpu.memory_space<semaphore_mem>>) {add = true}
      %dma_wait3A_86 = arith.constant 0 : i32
      %dma_wait3A_87 = arith.constant 0 : i32
      %dma_wait3A_88 = tpu.memref_slice %arg2[%dma_wait3A_86, %dma_wait3A_87] : memref<10240x128xf32, #tpu.memory_space<hbm>> -> memref<10240x128xf32, #tpu.memory_space<hbm>>
      tpu.wait_indirect_dma semaphore(%arg22 : memref<!tpu.dma_semaphore, #tpu.memory_space<semaphore_mem>>) src(%dma_wait3A_88 : memref<10240x128xf32, #tpu.memory_space<hbm>>) dst(%arg17 : memref<80x128xf32, #tpu.memory_space<vmem>>)
      %dma_start3A_89 = arith.constant 0 : i32
      %dma_start3A_90 = arith.constant 0 : i32
      %dma_start3A_91 = tpu.memref_slice %arg18[%dma_start3A_89, %dma_start3A_90] : memref<10240x128xf32, #tpu.memory_space<vmem_shared>> -> memref<10240x128xf32, #tpu.memory_space<vmem_shared>>
      tpu.enqueue_indirect_dma source(%arg17 : memref<80x128xf32, #tpu.memory_space<vmem>>) target(%dma_start3A_91 : memref<10240x128xf32, #tpu.memory_space<vmem_shared>>) offsets(%arg13 : memref<80xi32, #tpu.memory_space<vmem>>) semaphore(%arg26 : memref<!tpu.dma_semaphore, #tpu.memory_space<semaphore_mem>>) {add = true}
      %add3A_92 = arith.constant 0 : i32
      %add3A_93 = arith.addi %mul3A_67, %add3A_92 : i32
      %add3A_94 = arith.constant 4 : i32
      %add3A_95 = arith.addi %add3A_93, %add3A_94 : i32
      %min3A = arith.constant 124 : i32
      %min3A_96 = arith.minsi %add3A_95, %min3A : i32
      %dma_wait3A_97 = arith.constant 0 : i32
      %dma_wait3A_98 = arith.constant 0 : i32
      %dma_wait3A_99 = tpu.memref_slice %arg18[%dma_wait3A_97, %dma_wait3A_98] : memref<10240x128xf32, #tpu.memory_space<vmem_shared>> -> memref<10240x128xf32, #tpu.memory_space<vmem_shared>>
      tpu.wait_indirect_dma semaphore(%arg23 : memref<!tpu.dma_semaphore, #tpu.memory_space<semaphore_mem>>) src(%arg14 : memref<80x128xf32, #tpu.memory_space<vmem>>) dst(%dma_wait3A_99 : memref<10240x128xf32, #tpu.memory_space<vmem_shared>>)
      %mul3A_100 = arith.constant 80 : i32
      %mul3A_101 = arith.muli %min3A_96, %mul3A_100 : i32
      %add3A_102 = arith.addi %mul3A_2, %mul3A_101 : i32
      %dma_start3A_103 = tpu.memref_slice %arg3[%add3A_102] : memref<320000xi32, #tpu.memory_space<hbm>> -> memref<80xi32, #tpu.memory_space<hbm>>
      %dma_start3A_104 = tpu.memref_slice %arg3[%add3A_102] : memref<320000xi32, #tpu.memory_space<hbm>> -> memref<80xi32, #tpu.memory_space<hbm>>
      tpu.enqueue_dma source(%dma_start3A_104 : memref<80xi32, #tpu.memory_space<hbm>>) target(%arg6 : memref<80xi32, #tpu.memory_space<vmem>>) target_semaphore(%arg27 : memref<!tpu.dma_semaphore, #tpu.memory_space<semaphore_mem>>)
      %mul3A_105 = arith.constant 80 : i32
      %mul3A_106 = arith.muli %min3A_96, %mul3A_105 : i32
      %add3A_107 = arith.addi %mul3A_2, %mul3A_106 : i32
      %dma_start3A_108 = tpu.memref_slice %arg4[%add3A_107] : memref<320000xi32, #tpu.memory_space<hbm>> -> memref<80xi32, #tpu.memory_space<hbm>>
      %dma_start3A_109 = tpu.memref_slice %arg4[%add3A_107] : memref<320000xi32, #tpu.memory_space<hbm>> -> memref<80xi32, #tpu.memory_space<hbm>>
      tpu.enqueue_dma source(%dma_start3A_109 : memref<80xi32, #tpu.memory_space<hbm>>) target(%arg10 : memref<80xi32, #tpu.memory_space<vmem>>) target_semaphore(%arg27 : memref<!tpu.dma_semaphore, #tpu.memory_space<semaphore_mem>>)
      %mul3A_110 = arith.constant 80 : i32
      %mul3A_111 = arith.muli %min3A_96, %mul3A_110 : i32
      %add3A_112 = arith.addi %mul3A_2, %mul3A_111 : i32
      %dma_wait3A_113 = tpu.memref_slice %arg3[%add3A_112] : memref<320000xi32, #tpu.memory_space<hbm>> -> memref<80xi32, #tpu.memory_space<hbm>>
      %dma_wait3A_114 = tpu.memref_slice %arg3[%add3A_112] : memref<320000xi32, #tpu.memory_space<hbm>> -> memref<80xi32, #tpu.memory_space<hbm>>
      tpu.wait_dma2 semaphore(%arg27 : memref<!tpu.dma_semaphore, #tpu.memory_space<semaphore_mem>>) src(%dma_wait3A_114 : memref<80xi32, #tpu.memory_space<hbm>>) dst(%arg6 : memref<80xi32, #tpu.memory_space<vmem>>)
      %mul3A_115 = arith.constant 80 : i32
      %mul3A_116 = arith.muli %min3A_96, %mul3A_115 : i32
      %add3A_117 = arith.addi %mul3A_2, %mul3A_116 : i32
      %dma_wait3A_118 = tpu.memref_slice %arg4[%add3A_117] : memref<320000xi32, #tpu.memory_space<hbm>> -> memref<80xi32, #tpu.memory_space<hbm>>
      %dma_wait3A_119 = tpu.memref_slice %arg4[%add3A_117] : memref<320000xi32, #tpu.memory_space<hbm>> -> memref<80xi32, #tpu.memory_space<hbm>>
      tpu.wait_dma2 semaphore(%arg27 : memref<!tpu.dma_semaphore, #tpu.memory_space<semaphore_mem>>) src(%dma_wait3A_119 : memref<80xi32, #tpu.memory_space<hbm>>) dst(%arg10 : memref<80xi32, #tpu.memory_space<vmem>>)
      %dma_start3A_120 = arith.constant 0 : i32
      %dma_start3A_121 = arith.constant 0 : i32
      %dma_start3A_122 = tpu.memref_slice %arg2[%dma_start3A_120, %dma_start3A_121] : memref<10240x128xf32, #tpu.memory_space<hbm>> -> memref<10240x128xf32, #tpu.memory_space<hbm>>
      tpu.enqueue_indirect_dma source(%dma_start3A_122 : memref<10240x128xf32, #tpu.memory_space<hbm>>) target(%arg14 : memref<80x128xf32, #tpu.memory_space<vmem>>) offsets(%arg6 : memref<80xi32, #tpu.memory_space<vmem>>) semaphore(%arg19 : memref<!tpu.dma_semaphore, #tpu.memory_space<semaphore_mem>>)
      %add3A_123 = arith.constant 1 : i32
      %add3A_124 = arith.addi %mul3A_67, %add3A_123 : i32
      %add3A_125 = arith.constant 4 : i32
      %add3A_126 = arith.addi %add3A_124, %add3A_125 : i32
      %min3A_127 = arith.constant 124 : i32
      %min3A_128 = arith.minsi %add3A_126, %min3A_127 : i32
      %dma_wait3A_129 = arith.constant 0 : i32
      %dma_wait3A_130 = arith.constant 0 : i32
      %dma_wait3A_131 = tpu.memref_slice %arg18[%dma_wait3A_129, %dma_wait3A_130] : memref<10240x128xf32, #tpu.memory_space<vmem_shared>> -> memref<10240x128xf32, #tpu.memory_space<vmem_shared>>
      tpu.wait_indirect_dma semaphore(%arg24 : memref<!tpu.dma_semaphore, #tpu.memory_space<semaphore_mem>>) src(%arg15 : memref<80x128xf32, #tpu.memory_space<vmem>>) dst(%dma_wait3A_131 : memref<10240x128xf32, #tpu.memory_space<vmem_shared>>)
      %mul3A_132 = arith.constant 80 : i32
      %mul3A_133 = arith.muli %min3A_128, %mul3A_132 : i32
      %add3A_134 = arith.addi %mul3A_2, %mul3A_133 : i32
      %dma_start3A_135 = tpu.memref_slice %arg3[%add3A_134] : memref<320000xi32, #tpu.memory_space<hbm>> -> memref<80xi32, #tpu.memory_space<hbm>>
      %dma_start3A_136 = tpu.memref_slice %arg3[%add3A_134] : memref<320000xi32, #tpu.memory_space<hbm>> -> memref<80xi32, #tpu.memory_space<hbm>>
      tpu.enqueue_dma source(%dma_start3A_136 : memref<80xi32, #tpu.memory_space<hbm>>) target(%arg7 : memref<80xi32, #tpu.memory_space<vmem>>) target_semaphore(%arg28 : memref<!tpu.dma_semaphore, #tpu.memory_space<semaphore_mem>>)
      %mul3A_137 = arith.constant 80 : i32
      %mul3A_138 = arith.muli %min3A_128, %mul3A_137 : i32
      %add3A_139 = arith.addi %mul3A_2, %mul3A_138 : i32
      %dma_start3A_140 = tpu.memref_slice %arg4[%add3A_139] : memref<320000xi32, #tpu.memory_space<hbm>> -> memref<80xi32, #tpu.memory_space<hbm>>
      %dma_start3A_141 = tpu.memref_slice %arg4[%add3A_139] : memref<320000xi32, #tpu.memory_space<hbm>> -> memref<80xi32, #tpu.memory_space<hbm>>
      tpu.enqueue_dma source(%dma_start3A_141 : memref<80xi32, #tpu.memory_space<hbm>>) target(%arg11 : memref<80xi32, #tpu.memory_space<vmem>>) target_semaphore(%arg28 : memref<!tpu.dma_semaphore, #tpu.memory_space<semaphore_mem>>)
      %mul3A_142 = arith.constant 80 : i32
      %mul3A_143 = arith.muli %min3A_128, %mul3A_142 : i32
      %add3A_144 = arith.addi %mul3A_2, %mul3A_143 : i32
      %dma_wait3A_145 = tpu.memref_slice %arg3[%add3A_144] : memref<320000xi32, #tpu.memory_space<hbm>> -> memref<80xi32, #tpu.memory_space<hbm>>
      %dma_wait3A_146 = tpu.memref_slice %arg3[%add3A_144] : memref<320000xi32, #tpu.memory_space<hbm>> -> memref<80xi32, #tpu.memory_space<hbm>>
      tpu.wait_dma2 semaphore(%arg28 : memref<!tpu.dma_semaphore, #tpu.memory_space<semaphore_mem>>) src(%dma_wait3A_146 : memref<80xi32, #tpu.memory_space<hbm>>) dst(%arg7 : memref<80xi32, #tpu.memory_space<vmem>>)
      %mul3A_147 = arith.constant 80 : i32
      %mul3A_148 = arith.muli %min3A_128, %mul3A_147 : i32
      %add3A_149 = arith.addi %mul3A_2, %mul3A_148 : i32
      %dma_wait3A_150 = tpu.memref_slice %arg4[%add3A_149] : memref<320000xi32, #tpu.memory_space<hbm>> -> memref<80xi32, #tpu.memory_space<hbm>>
      %dma_wait3A_151 = tpu.memref_slice %arg4[%add3A_149] : memref<320000xi32, #tpu.memory_space<hbm>> -> memref<80xi32, #tpu.memory_space<hbm>>
      tpu.wait_dma2 semaphore(%arg28 : memref<!tpu.dma_semaphore, #tpu.memory_space<semaphore_mem>>) src(%dma_wait3A_151 : memref<80xi32, #tpu.memory_space<hbm>>) dst(%arg11 : memref<80xi32, #tpu.memory_space<vmem>>)
      %dma_start3A_152 = arith.constant 0 : i32
      %dma_start3A_153 = arith.constant 0 : i32
      %dma_start3A_154 = tpu.memref_slice %arg2[%dma_start3A_152, %dma_start3A_153] : memref<10240x128xf32, #tpu.memory_space<hbm>> -> memref<10240x128xf32, #tpu.memory_space<hbm>>
      tpu.enqueue_indirect_dma source(%dma_start3A_154 : memref<10240x128xf32, #tpu.memory_space<hbm>>) target(%arg15 : memref<80x128xf32, #tpu.memory_space<vmem>>) offsets(%arg7 : memref<80xi32, #tpu.memory_space<vmem>>) semaphore(%arg20 : memref<!tpu.dma_semaphore, #tpu.memory_space<semaphore_mem>>)
      %add3A_155 = arith.constant 2 : i32
      %add3A_156 = arith.addi %mul3A_67, %add3A_155 : i32
      %add3A_157 = arith.constant 4 : i32
      %add3A_158 = arith.addi %add3A_156, %add3A_157 : i32
      %min3A_159 = arith.constant 124 : i32
      %min3A_160 = arith.minsi %add3A_158, %min3A_159 : i32
      %dma_wait3A_161 = arith.constant 0 : i32
      %dma_wait3A_162 = arith.constant 0 : i32
      %dma_wait3A_163 = tpu.memref_slice %arg18[%dma_wait3A_161, %dma_wait3A_162] : memref<10240x128xf32, #tpu.memory_space<vmem_shared>> -> memref<10240x128xf32, #tpu.memory_space<vmem_shared>>
      tpu.wait_indirect_dma semaphore(%arg25 : memref<!tpu.dma_semaphore, #tpu.memory_space<semaphore_mem>>) src(%arg16 : memref<80x128xf32, #tpu.memory_space<vmem>>) dst(%dma_wait3A_163 : memref<10240x128xf32, #tpu.memory_space<vmem_shared>>)
      %mul3A_164 = arith.constant 80 : i32
      %mul3A_165 = arith.muli %min3A_160, %mul3A_164 : i32
      %add3A_166 = arith.addi %mul3A_2, %mul3A_165 : i32
      %dma_start3A_167 = tpu.memref_slice %arg3[%add3A_166] : memref<320000xi32, #tpu.memory_space<hbm>> -> memref<80xi32, #tpu.memory_space<hbm>>
      %dma_start3A_168 = tpu.memref_slice %arg3[%add3A_166] : memref<320000xi32, #tpu.memory_space<hbm>> -> memref<80xi32, #tpu.memory_space<hbm>>
      tpu.enqueue_dma source(%dma_start3A_168 : memref<80xi32, #tpu.memory_space<hbm>>) target(%arg8 : memref<80xi32, #tpu.memory_space<vmem>>) target_semaphore(%arg29 : memref<!tpu.dma_semaphore, #tpu.memory_space<semaphore_mem>>)
      %mul3A_169 = arith.constant 80 : i32
      %mul3A_170 = arith.muli %min3A_160, %mul3A_169 : i32
      %add3A_171 = arith.addi %mul3A_2, %mul3A_170 : i32
      %dma_start3A_172 = tpu.memref_slice %arg4[%add3A_171] : memref<320000xi32, #tpu.memory_space<hbm>> -> memref<80xi32, #tpu.memory_space<hbm>>
      %dma_start3A_173 = tpu.memref_slice %arg4[%add3A_171] : memref<320000xi32, #tpu.memory_space<hbm>> -> memref<80xi32, #tpu.memory_space<hbm>>
      tpu.enqueue_dma source(%dma_start3A_173 : memref<80xi32, #tpu.memory_space<hbm>>) target(%arg12 : memref<80xi32, #tpu.memory_space<vmem>>) target_semaphore(%arg29 : memref<!tpu.dma_semaphore, #tpu.memory_space<semaphore_mem>>)
      %mul3A_174 = arith.constant 80 : i32
      %mul3A_175 = arith.muli %min3A_160, %mul3A_174 : i32
      %add3A_176 = arith.addi %mul3A_2, %mul3A_175 : i32
      %dma_wait3A_177 = tpu.memref_slice %arg3[%add3A_176] : memref<320000xi32, #tpu.memory_space<hbm>> -> memref<80xi32, #tpu.memory_space<hbm>>
      %dma_wait3A_178 = tpu.memref_slice %arg3[%add3A_176] : memref<320000xi32, #tpu.memory_space<hbm>> -> memref<80xi32, #tpu.memory_space<hbm>>
      tpu.wait_dma2 semaphore(%arg29 : memref<!tpu.dma_semaphore, #tpu.memory_space<semaphore_mem>>) src(%dma_wait3A_178 : memref<80xi32, #tpu.memory_space<hbm>>) dst(%arg8 : memref<80xi32, #tpu.memory_space<vmem>>)
      %mul3A_179 = arith.constant 80 : i32
      %mul3A_180 = arith.muli %min3A_160, %mul3A_179 : i32
      %add3A_181 = arith.addi %mul3A_2, %mul3A_180 : i32
      %dma_wait3A_182 = tpu.memref_slice %arg4[%add3A_181] : memref<320000xi32, #tpu.memory_space<hbm>> -> memref<80xi32, #tpu.memory_space<hbm>>
      %dma_wait3A_183 = tpu.memref_slice %arg4[%add3A_181] : memref<320000xi32, #tpu.memory_space<hbm>> -> memref<80xi32, #tpu.memory_space<hbm>>
      tpu.wait_dma2 semaphore(%arg29 : memref<!tpu.dma_semaphore, #tpu.memory_space<semaphore_mem>>) src(%dma_wait3A_183 : memref<80xi32, #tpu.memory_space<hbm>>) dst(%arg12 : memref<80xi32, #tpu.memory_space<vmem>>)
      %dma_start3A_184 = arith.constant 0 : i32
      %dma_start3A_185 = arith.constant 0 : i32
      %dma_start3A_186 = tpu.memref_slice %arg2[%dma_start3A_184, %dma_start3A_185] : memref<10240x128xf32, #tpu.memory_space<hbm>> -> memref<10240x128xf32, #tpu.memory_space<hbm>>
      tpu.enqueue_indirect_dma source(%dma_start3A_186 : memref<10240x128xf32, #tpu.memory_space<hbm>>) target(%arg16 : memref<80x128xf32, #tpu.memory_space<vmem>>) offsets(%arg8 : memref<80xi32, #tpu.memory_space<vmem>>) semaphore(%arg21 : memref<!tpu.dma_semaphore, #tpu.memory_space<semaphore_mem>>)
      %add3A_187 = arith.constant 3 : i32
      %add3A_188 = arith.addi %mul3A_67, %add3A_187 : i32
      %add3A_189 = arith.constant 4 : i32
      %add3A_190 = arith.addi %add3A_188, %add3A_189 : i32
      %min3A_191 = arith.constant 124 : i32
      %min3A_192 = arith.minsi %add3A_190, %min3A_191 : i32
      %dma_wait3A_193 = arith.constant 0 : i32
      %dma_wait3A_194 = arith.constant 0 : i32
      %dma_wait3A_195 = tpu.memref_slice %arg18[%dma_wait3A_193, %dma_wait3A_194] : memref<10240x128xf32, #tpu.memory_space<vmem_shared>> -> memref<10240x128xf32, #tpu.memory_space<vmem_shared>>
      tpu.wait_indirect_dma semaphore(%arg26 : memref<!tpu.dma_semaphore, #tpu.memory_space<semaphore_mem>>) src(%arg17 : memref<80x128xf32, #tpu.memory_space<vmem>>) dst(%dma_wait3A_195 : memref<10240x128xf32, #tpu.memory_space<vmem_shared>>)
      %mul3A_196 = arith.constant 80 : i32
      %mul3A_197 = arith.muli %min3A_192, %mul3A_196 : i32
      %add3A_198 = arith.addi %mul3A_2, %mul3A_197 : i32
      %dma_start3A_199 = tpu.memref_slice %arg3[%add3A_198] : memref<320000xi32, #tpu.memory_space<hbm>> -> memref<80xi32, #tpu.memory_space<hbm>>
      %dma_start3A_200 = tpu.memref_slice %arg3[%add3A_198] : memref<320000xi32, #tpu.memory_space<hbm>> -> memref<80xi32, #tpu.memory_space<hbm>>
      tpu.enqueue_dma source(%dma_start3A_200 : memref<80xi32, #tpu.memory_space<hbm>>) target(%arg9 : memref<80xi32, #tpu.memory_space<vmem>>) target_semaphore(%arg30 : memref<!tpu.dma_semaphore, #tpu.memory_space<semaphore_mem>>)
      %mul3A_201 = arith.constant 80 : i32
      %mul3A_202 = arith.muli %min3A_192, %mul3A_201 : i32
      %add3A_203 = arith.addi %mul3A_2, %mul3A_202 : i32
      %dma_start3A_204 = tpu.memref_slice %arg4[%add3A_203] : memref<320000xi32, #tpu.memory_space<hbm>> -> memref<80xi32, #tpu.memory_space<hbm>>
      %dma_start3A_205 = tpu.memref_slice %arg4[%add3A_203] : memref<320000xi32, #tpu.memory_space<hbm>> -> memref<80xi32, #tpu.memory_space<hbm>>
      tpu.enqueue_dma source(%dma_start3A_205 : memref<80xi32, #tpu.memory_space<hbm>>) target(%arg13 : memref<80xi32, #tpu.memory_space<vmem>>) target_semaphore(%arg30 : memref<!tpu.dma_semaphore, #tpu.memory_space<semaphore_mem>>)
      %mul3A_206 = arith.constant 80 : i32
      %mul3A_207 = arith.muli %min3A_192, %mul3A_206 : i32
      %add3A_208 = arith.addi %mul3A_2, %mul3A_207 : i32
      %dma_wait3A_209 = tpu.memref_slice %arg3[%add3A_208] : memref<320000xi32, #tpu.memory_space<hbm>> -> memref<80xi32, #tpu.memory_space<hbm>>
      %dma_wait3A_210 = tpu.memref_slice %arg3[%add3A_208] : memref<320000xi32, #tpu.memory_space<hbm>> -> memref<80xi32, #tpu.memory_space<hbm>>
      tpu.wait_dma2 semaphore(%arg30 : memref<!tpu.dma_semaphore, #tpu.memory_space<semaphore_mem>>) src(%dma_wait3A_210 : memref<80xi32, #tpu.memory_space<hbm>>) dst(%arg9 : memref<80xi32, #tpu.memory_space<vmem>>)
      %mul3A_211 = arith.constant 80 : i32
      %mul3A_212 = arith.muli %min3A_192, %mul3A_211 : i32
      %add3A_213 = arith.addi %mul3A_2, %mul3A_212 : i32
      %dma_wait3A_214 = tpu.memref_slice %arg4[%add3A_213] : memref<320000xi32, #tpu.memory_space<hbm>> -> memref<80xi32, #tpu.memory_space<hbm>>
      %dma_wait3A_215 = tpu.memref_slice %arg4[%add3A_213] : memref<320000xi32, #tpu.memory_space<hbm>> -> memref<80xi32, #tpu.memory_space<hbm>>
      tpu.wait_dma2 semaphore(%arg30 : memref<!tpu.dma_semaphore, #tpu.memory_space<semaphore_mem>>) src(%dma_wait3A_215 : memref<80xi32, #tpu.memory_space<hbm>>) dst(%arg13 : memref<80xi32, #tpu.memory_space<vmem>>)
      %dma_start3A_216 = arith.constant 0 : i32
      %dma_start3A_217 = arith.constant 0 : i32
      %dma_start3A_218 = tpu.memref_slice %arg2[%dma_start3A_216, %dma_start3A_217] : memref<10240x128xf32, #tpu.memory_space<hbm>> -> memref<10240x128xf32, #tpu.memory_space<hbm>>
      tpu.enqueue_indirect_dma source(%dma_start3A_218 : memref<10240x128xf32, #tpu.memory_space<hbm>>) target(%arg17 : memref<80x128xf32, #tpu.memory_space<vmem>>) offsets(%arg9 : memref<80xi32, #tpu.memory_space<vmem>>) semaphore(%arg22 : memref<!tpu.dma_semaphore, #tpu.memory_space<semaphore_mem>>)
    }
    %scan3A_46 = arith.constant 31 : i32
    %dma_wait3A = arith.constant 0 : i32
    %dma_wait3A_47 = arith.constant 0 : i32
    %dma_wait3A_48 = tpu.memref_slice %arg2[%dma_wait3A, %dma_wait3A_47] : memref<10240x128xf32, #tpu.memory_space<hbm>> -> memref<10240x128xf32, #tpu.memory_space<hbm>>
    tpu.wait_indirect_dma semaphore(%arg19 : memref<!tpu.dma_semaphore, #tpu.memory_space<semaphore_mem>>) src(%dma_wait3A_48 : memref<10240x128xf32, #tpu.memory_space<hbm>>) dst(%arg14 : memref<80x128xf32, #tpu.memory_space<vmem>>)
    %dma_start3A_49 = arith.constant 0 : i32
    %dma_start3A_50 = arith.constant 0 : i32
    %dma_start3A_51 = tpu.memref_slice %arg18[%dma_start3A_49, %dma_start3A_50] : memref<10240x128xf32, #tpu.memory_space<vmem_shared>> -> memref<10240x128xf32, #tpu.memory_space<vmem_shared>>
    tpu.enqueue_indirect_dma source(%arg14 : memref<80x128xf32, #tpu.memory_space<vmem>>) target(%dma_start3A_51 : memref<10240x128xf32, #tpu.memory_space<vmem_shared>>) offsets(%arg10 : memref<80xi32, #tpu.memory_space<vmem>>) semaphore(%arg23 : memref<!tpu.dma_semaphore, #tpu.memory_space<semaphore_mem>>) {add = true}
    %dma_wait3A_52 = arith.constant 0 : i32
    %dma_wait3A_53 = arith.constant 0 : i32
    %dma_wait3A_54 = tpu.memref_slice %arg2[%dma_wait3A_52, %dma_wait3A_53] : memref<10240x128xf32, #tpu.memory_space<hbm>> -> memref<10240x128xf32, #tpu.memory_space<hbm>>
    tpu.wait_indirect_dma semaphore(%arg20 : memref<!tpu.dma_semaphore, #tpu.memory_space<semaphore_mem>>) src(%dma_wait3A_54 : memref<10240x128xf32, #tpu.memory_space<hbm>>) dst(%arg15 : memref<80x128xf32, #tpu.memory_space<vmem>>)
    %dma_wait3A_55 = arith.constant 0 : i32
    %dma_wait3A_56 = arith.constant 0 : i32
    %dma_wait3A_57 = tpu.memref_slice %arg2[%dma_wait3A_55, %dma_wait3A_56] : memref<10240x128xf32, #tpu.memory_space<hbm>> -> memref<10240x128xf32, #tpu.memory_space<hbm>>
    tpu.wait_indirect_dma semaphore(%arg21 : memref<!tpu.dma_semaphore, #tpu.memory_space<semaphore_mem>>) src(%dma_wait3A_57 : memref<10240x128xf32, #tpu.memory_space<hbm>>) dst(%arg16 : memref<80x128xf32, #tpu.memory_space<vmem>>)
    %dma_wait3A_58 = arith.constant 0 : i32
    %dma_wait3A_59 = arith.constant 0 : i32
    %dma_wait3A_60 = tpu.memref_slice %arg2[%dma_wait3A_58, %dma_wait3A_59] : memref<10240x128xf32, #tpu.memory_space<hbm>> -> memref<10240x128xf32, #tpu.memory_space<hbm>>
    tpu.wait_indirect_dma semaphore(%arg22 : memref<!tpu.dma_semaphore, #tpu.memory_space<semaphore_mem>>) src(%dma_wait3A_60 : memref<10240x128xf32, #tpu.memory_space<hbm>>) dst(%arg17 : memref<80x128xf32, #tpu.memory_space<vmem>>)
    %dma_wait3A_61 = arith.constant 0 : i32
    %dma_wait3A_62 = arith.constant 0 : i32
    %dma_wait3A_63 = tpu.memref_slice %arg18[%dma_wait3A_61, %dma_wait3A_62] : memref<10240x128xf32, #tpu.memory_space<vmem_shared>> -> memref<10240x128xf32, #tpu.memory_space<vmem_shared>>
    tpu.wait_indirect_dma semaphore(%arg23 : memref<!tpu.dma_semaphore, #tpu.memory_space<semaphore_mem>>) src(%arg14 : memref<80x128xf32, #tpu.memory_space<vmem>>) dst(%dma_wait3A_63 : memref<10240x128xf32, #tpu.memory_space<vmem_shared>>)
    %barrier3A_64 = arith.constant 0 : index
    tpu.barrier barrier_id(%barrier3A_64)
    "tpu.region"() ({
      %run_scoped3A = tpu.sem_alloc : memref<!tpu.dma_semaphore, #tpu.memory_space<semaphore_mem>>
      %dma_start3A_65 = arith.constant 0 : i32
      %dma_start3A_66 = tpu.memref_slice %arg5[%arg0, %mul3A_9, %dma_start3A_65] : memref<2x10240x128xf32, #tpu.memory_space<hbm>> -> memref<1x640x128xf32, #tpu.memory_space<hbm>>
      %dma_start3A_67 = tpu.memref_squeeze %dma_start3A_66 : memref<1x640x128xf32, #tpu.memory_space<hbm>> -> memref<640x128xf32, #tpu.memory_space<hbm>>
      %dma_start3A_68 = arith.constant 0 : i32
      %dma_start3A_69 = tpu.memref_slice %arg18[%mul3A_9, %dma_start3A_68] : memref<10240x128xf32, #tpu.memory_space<vmem_shared>> -> memref<640x128xf32, #tpu.memory_space<vmem_shared>>
      tpu.enqueue_dma source(%dma_start3A_69 : memref<640x128xf32, #tpu.memory_space<vmem_shared>>) target(%dma_start3A_67 : memref<640x128xf32, #tpu.memory_space<hbm>>) target_semaphore(%run_scoped3A : memref<!tpu.dma_semaphore, #tpu.memory_space<semaphore_mem>>)
      %dma_wait3A_70 = arith.constant 0 : i32
      %dma_wait3A_71 = tpu.memref_slice %arg5[%arg0, %mul3A_9, %dma_wait3A_70] : memref<2x10240x128xf32, #tpu.memory_space<hbm>> -> memref<1x640x128xf32, #tpu.memory_space<hbm>>
      %dma_wait3A_72 = tpu.memref_squeeze %dma_wait3A_71 : memref<1x640x128xf32, #tpu.memory_space<hbm>> -> memref<640x128xf32, #tpu.memory_space<hbm>>
      %dma_wait3A_73 = arith.constant 0 : i32
      %dma_wait3A_74 = tpu.memref_slice %arg18[%mul3A_9, %dma_wait3A_73] : memref<10240x128xf32, #tpu.memory_space<vmem_shared>> -> memref<640x128xf32, #tpu.memory_space<vmem_shared>>
      tpu.wait_dma2 semaphore(%run_scoped3A : memref<!tpu.dma_semaphore, #tpu.memory_space<semaphore_mem>>) src(%dma_wait3A_74 : memref<640x128xf32, #tpu.memory_space<vmem_shared>>) dst(%dma_wait3A_72 : memref<640x128xf32, #tpu.memory_space<hbm>>)
      tpu.yield
    }) : () -> ()
    return
  }
}

#map = affine_map<(d0, d1) -> (0)>
module attributes {stable_mosaic.version = 14 : i64} {
  func.func @_deg_kernel(%arg0: i32, %arg1: i32, %arg2: memref<320000xi32, #tpu.memory_space<hbm>>, %arg3: memref<320000xi32, #tpu.memory_space<hbm>>, %arg4: memref<640000xf32, #tpu.memory_space<hbm>>, %arg5: memref<10000xi32, #tpu.memory_space<vmem>>, %arg6: memref<10000xi32, #tpu.memory_space<vmem>>, %arg7: memref<10000xf32, #tpu.memory_space<vmem>>, %arg8: memref<10000xf32, #tpu.memory_space<vmem>>) attributes {dimension_semantics = [#tpu.dimension_semantics<core_parallel>, #tpu.dimension_semantics<subcore_parallel>], iteration_bounds = array<i64: 2, 16>, scalar_prefetch = 0 : i64, scratch_operands = 4 : i64, tpu.core_type = #tpu.core_type<sc_vector_subcore>, window_params = [{transform_indices = #map}, {transform_indices = #map}, {transform_indices = #map}]} {
    %mul3A = arith.constant 2 : i32
    %mul3A_0 = arith.muli %arg1, %mul3A : i32
    %add3A = arith.addi %mul3A_0, %arg0 : i32
    %mul3A_1 = arith.constant 10000 : i32
    %mul3A_2 = arith.muli %add3A, %mul3A_1 : i32
    "tpu.region"() ({
      %run_scoped3A = tpu.sem_alloc : memref<!tpu.dma_semaphore, #tpu.memory_space<semaphore_mem>>
      %dma_start3A = tpu.memref_slice %arg2[%mul3A_2] : memref<320000xi32, #tpu.memory_space<hbm>> -> memref<10000xi32, #tpu.memory_space<hbm>>
      %dma_start3A_21 = tpu.memref_slice %arg2[%mul3A_2] : memref<320000xi32, #tpu.memory_space<hbm>> -> memref<10000xi32, #tpu.memory_space<hbm>>
      tpu.enqueue_dma source(%dma_start3A_21 : memref<10000xi32, #tpu.memory_space<hbm>>) target(%arg5 : memref<10000xi32, #tpu.memory_space<vmem>>) target_semaphore(%run_scoped3A : memref<!tpu.dma_semaphore, #tpu.memory_space<semaphore_mem>>)
      %dma_wait3A = tpu.memref_slice %arg2[%mul3A_2] : memref<320000xi32, #tpu.memory_space<hbm>> -> memref<10000xi32, #tpu.memory_space<hbm>>
      %dma_wait3A_22 = tpu.memref_slice %arg2[%mul3A_2] : memref<320000xi32, #tpu.memory_space<hbm>> -> memref<10000xi32, #tpu.memory_space<hbm>>
      tpu.wait_dma2 semaphore(%run_scoped3A : memref<!tpu.dma_semaphore, #tpu.memory_space<semaphore_mem>>) src(%dma_wait3A_22 : memref<10000xi32, #tpu.memory_space<hbm>>) dst(%arg5 : memref<10000xi32, #tpu.memory_space<vmem>>)
      tpu.yield
    }) : () -> ()
    "tpu.region"() ({
      %run_scoped3A = tpu.sem_alloc : memref<!tpu.dma_semaphore, #tpu.memory_space<semaphore_mem>>
      %dma_start3A = tpu.memref_slice %arg3[%mul3A_2] : memref<320000xi32, #tpu.memory_space<hbm>> -> memref<10000xi32, #tpu.memory_space<hbm>>
      %dma_start3A_21 = tpu.memref_slice %arg3[%mul3A_2] : memref<320000xi32, #tpu.memory_space<hbm>> -> memref<10000xi32, #tpu.memory_space<hbm>>
      tpu.enqueue_dma source(%dma_start3A_21 : memref<10000xi32, #tpu.memory_space<hbm>>) target(%arg6 : memref<10000xi32, #tpu.memory_space<vmem>>) target_semaphore(%run_scoped3A : memref<!tpu.dma_semaphore, #tpu.memory_space<semaphore_mem>>)
      %dma_wait3A = tpu.memref_slice %arg3[%mul3A_2] : memref<320000xi32, #tpu.memory_space<hbm>> -> memref<10000xi32, #tpu.memory_space<hbm>>
      %dma_wait3A_22 = tpu.memref_slice %arg3[%mul3A_2] : memref<320000xi32, #tpu.memory_space<hbm>> -> memref<10000xi32, #tpu.memory_space<hbm>>
      tpu.wait_dma2 semaphore(%run_scoped3A : memref<!tpu.dma_semaphore, #tpu.memory_space<semaphore_mem>>) src(%dma_wait3A_22 : memref<10000xi32, #tpu.memory_space<hbm>>) dst(%arg6 : memref<10000xi32, #tpu.memory_space<vmem>>)
      tpu.yield
    }) : () -> ()
    %broadcast_in_dim3A = arith.constant 0.000000e+00 : f32
    %broadcast_in_dim3A_3 = vector.broadcast %broadcast_in_dim3A : f32 to vector<16xf32>
    %broadcast_in_dim3A_4 = arith.constant 1.000000e+00 : f32
    %broadcast_in_dim3A_5 = vector.broadcast %broadcast_in_dim3A_4 : f32 to vector<16xf32>
    %scan3A = arith.constant 0 : i32
    %scan3A_6 = arith.constant 625 : i32
    %scan3A_7 = arith.addi %scan3A, %scan3A_6 : i32
    %scan3A_8 = arith.constant 1 : i32
    scf.for %scan3A_21 = %scan3A to %scan3A_7 step %scan3A_8  : i32 {
      %mul3A_22 = arith.constant 16 : i32
      %mul3A_23 = arith.muli %scan3A_21, %mul3A_22 : i32
      %swap3A = arith.index_cast %mul3A_23 : i32 to index
      %swap3A_24 = tpu.vector_load %arg7[%swap3A] {strides = array<i32>} : memref<10000xf32, #tpu.memory_space<vmem>>, vector<16xf32>,
      tpu.vector_store %arg7[%swap3A], %broadcast_in_dim3A_3 {strides = array<i32>} : memref<10000xf32, #tpu.memory_space<vmem>>, vector<16xf32>,
      %mul3A_25 = arith.constant 16 : i32
      %mul3A_26 = arith.muli %scan3A_21, %mul3A_25 : i32
      %swap3A_27 = arith.index_cast %mul3A_26 : i32 to index
      %swap3A_28 = tpu.vector_load %arg8[%swap3A_27] {strides = array<i32>} : memref<10000xf32, #tpu.memory_space<vmem>>, vector<16xf32>,
      tpu.vector_store %arg8[%swap3A_27], %broadcast_in_dim3A_3 {strides = array<i32>} : memref<10000xf32, #tpu.memory_space<vmem>>, vector<16xf32>,
    }
    %scan3A_9 = arith.constant 625 : i32
    %scan3A_10 = arith.constant 0 : i32
    %scan3A_11 = arith.constant 625 : i32
    %scan3A_12 = arith.addi %scan3A_10, %scan3A_11 : i32
    %scan3A_13 = arith.constant 1 : i32
    scf.for %scan3A_21 = %scan3A_10 to %scan3A_12 step %scan3A_13  : i32 {
      %mul3A_22 = arith.constant 16 : i32
      %mul3A_23 = arith.muli %scan3A_21, %mul3A_22 : i32
      %get3A = arith.index_cast %mul3A_23 : i32 to index
      %get3A_24 = tpu.vector_load %arg5[%get3A] {strides = array<i32>} : memref<10000xi32, #tpu.memory_space<vmem>>, vector<16xi32>,
      tpu.vector_store_idx %arg7[%get3A_24], %broadcast_in_dim3A_5 {add = true} : memref<10000xf32, #tpu.memory_space<vmem>>[vector<16xi32>], vector<16xf32>,
      %mul3A_25 = arith.constant 16 : i32
      %mul3A_26 = arith.muli %scan3A_21, %mul3A_25 : i32
      %get3A_27 = arith.index_cast %mul3A_26 : i32 to index
      %get3A_28 = tpu.vector_load %arg6[%get3A_27] {strides = array<i32>} : memref<10000xi32, #tpu.memory_space<vmem>>, vector<16xi32>,
      tpu.vector_store_idx %arg8[%get3A_28], %broadcast_in_dim3A_5 {add = true} : memref<10000xf32, #tpu.memory_space<vmem>>[vector<16xi32>], vector<16xf32>,
    }
    %scan3A_14 = arith.constant 625 : i32
    %mul3A_15 = arith.constant 10000 : i32
    %mul3A_16 = arith.muli %add3A, %mul3A_15 : i32
    "tpu.region"() ({
      %run_scoped3A = tpu.sem_alloc : memref<!tpu.dma_semaphore, #tpu.memory_space<semaphore_mem>>
      %dma_start3A = tpu.memref_slice %arg4[%mul3A_16] : memref<640000xf32, #tpu.memory_space<hbm>> -> memref<10000xf32, #tpu.memory_space<hbm>>
      %dma_start3A_21 = tpu.memref_slice %arg4[%mul3A_16] : memref<640000xf32, #tpu.memory_space<hbm>> -> memref<10000xf32, #tpu.memory_space<hbm>>
      tpu.enqueue_dma source(%arg7 : memref<10000xf32, #tpu.memory_space<vmem>>) target(%dma_start3A_21 : memref<10000xf32, #tpu.memory_space<hbm>>) target_semaphore(%run_scoped3A : memref<!tpu.dma_semaphore, #tpu.memory_space<semaphore_mem>>)
      %dma_wait3A = tpu.memref_slice %arg4[%mul3A_16] : memref<640000xf32, #tpu.memory_space<hbm>> -> memref<10000xf32, #tpu.memory_space<hbm>>
      %dma_wait3A_22 = tpu.memref_slice %arg4[%mul3A_16] : memref<640000xf32, #tpu.memory_space<hbm>> -> memref<10000xf32, #tpu.memory_space<hbm>>
      tpu.wait_dma2 semaphore(%run_scoped3A : memref<!tpu.dma_semaphore, #tpu.memory_space<semaphore_mem>>) src(%arg7 : memref<10000xf32, #tpu.memory_space<vmem>>) dst(%dma_wait3A_22 : memref<10000xf32, #tpu.memory_space<hbm>>)
      tpu.yield
    }) : () -> ()
    %add3A_17 = arith.constant 32 : i32
    %add3A_18 = arith.addi %add3A_17, %add3A : i32
    %mul3A_19 = arith.constant 10000 : i32
    %mul3A_20 = arith.muli %add3A_18, %mul3A_19 : i32
    "tpu.region"() ({
      %run_scoped3A = tpu.sem_alloc : memref<!tpu.dma_semaphore, #tpu.memory_space<semaphore_mem>>
      %dma_start3A = tpu.memref_slice %arg4[%mul3A_20] : memref<640000xf32, #tpu.memory_space<hbm>> -> memref<10000xf32, #tpu.memory_space<hbm>>
      %dma_start3A_21 = tpu.memref_slice %arg4[%mul3A_20] : memref<640000xf32, #tpu.memory_space<hbm>> -> memref<10000xf32, #tpu.memory_space<hbm>>
      tpu.enqueue_dma source(%arg8 : memref<10000xf32, #tpu.memory_space<vmem>>) target(%dma_start3A_21 : memref<10000xf32, #tpu.memory_space<hbm>>) target_semaphore(%run_scoped3A : memref<!tpu.dma_semaphore, #tpu.memory_space<semaphore_mem>>)
      %dma_wait3A = tpu.memref_slice %arg4[%mul3A_20] : memref<640000xf32, #tpu.memory_space<hbm>> -> memref<10000xf32, #tpu.memory_space<hbm>>
      %dma_wait3A_22 = tpu.memref_slice %arg4[%mul3A_20] : memref<640000xf32, #tpu.memory_space<hbm>> -> memref<10000xf32, #tpu.memory_space<hbm>>
      tpu.wait_dma2 semaphore(%run_scoped3A : memref<!tpu.dma_semaphore, #tpu.memory_space<semaphore_mem>>) src(%arg8 : memref<10000xf32, #tpu.memory_space<vmem>>) dst(%dma_wait3A_22 : memref<10000xf32, #tpu.memory_space<hbm>>)
      tpu.yield
    }) : () -> ()
    return
  }
}

module attributes {stable_mosaic.version = 14 : i64} {
  func.func @_dense1_body(%arg0: memref<10000x128xf32, #tpu.memory_space<vmem>>, %arg1: memref<128x128xf32, #tpu.memory_space<vmem>>, %arg2: memref<2x32x10000xf32, #tpu.memory_space<vmem>>, %arg3: memref<10240x128xf32, #tpu.memory_space<vmem>>, %arg4: memref<10000x1xf32, #tpu.memory_space<vmem>>) attributes {dimension_semantics = [], scalar_prefetch = 0 : i64, scratch_operands = 0 : i64, tpu.core_type = #tpu.core_type<tc>} {
    %get3A = arith.constant 0 : index
    %get3A_0 = arith.constant 0 : index
    %get3A_1 = arith.constant 0 : index
    %get3A_2 = vector.load %arg2[%get3A, %get3A_0, %get3A_1] : memref<2x32x10000xf32, #tpu.memory_space<vmem>>, vector<1x32x10000xf32>
    %get3A_3 = vector.shape_cast %get3A_2 : vector<1x32x10000xf32> to vector<32x10000xf32>
    %reduce_sum3A = arith.constant dense<0.000000e+00> : vector<10000xf32>
    %reduce_sum3A_4 = vector.multi_reduction <add>, %get3A_3, %reduce_sum3A [0] : vector<32x10000xf32> to vector<10000xf32>
    %max3A = arith.constant 1.000000e+00 : f32
    %max3A_5 = vector.broadcast %max3A : f32 to vector<10000xf32>
    %max3A_6 = arith.maximumf %reduce_sum3A_4, %max3A_5 : vector<10000xf32>
    %get3A_7 = arith.constant 1 : index
    %get3A_8 = arith.constant 0 : index
    %get3A_9 = arith.constant 0 : index
    %get3A_10 = vector.load %arg2[%get3A_7, %get3A_8, %get3A_9] : memref<2x32x10000xf32, #tpu.memory_space<vmem>>, vector<1x32x10000xf32>
    %get3A_11 = vector.shape_cast %get3A_10 : vector<1x32x10000xf32> to vector<32x10000xf32>
    %reduce_sum3A_12 = arith.constant dense<0.000000e+00> : vector<10000xf32>
    %reduce_sum3A_13 = vector.multi_reduction <add>, %get3A_11, %reduce_sum3A_12 [0] : vector<32x10000xf32> to vector<10000xf32>
    %max3A_14 = arith.constant 1.000000e+00 : f32
    %max3A_15 = vector.broadcast %max3A_14 : f32 to vector<10000xf32>
    %max3A_16 = arith.maximumf %reduce_sum3A_13, %max3A_15 : vector<10000xf32>
    %get3A_17 = arith.constant 0 : index
    %get3A_18 = arith.constant 0 : index
    %get3A_19 = vector.load %arg0[%get3A_17, %get3A_18] : memref<10000x128xf32, #tpu.memory_space<vmem>>, vector<10000x128xf32>
    %rsqrt3A = math.rsqrt %max3A_6 : vector<10000xf32>
    %broadcast_in_dim3A = vector.shape_cast %rsqrt3A : vector<10000xf32> to vector<10000x1xf32>
    %mul3A = vector.broadcast %broadcast_in_dim3A : vector<10000x1xf32> to vector<10000x128xf32>
    %mul3A_20 = arith.mulf %get3A_19, %mul3A : vector<10000x128xf32>
    %get3A_21 = arith.constant 0 : index
    %get3A_22 = arith.constant 0 : index
    %get3A_23 = vector.load %arg1[%get3A_21, %get3A_22] : memref<128x128xf32, #tpu.memory_space<vmem>>, vector<128x128xf32>
    %dot_general3A = arith.constant dense<0.000000e+00> : vector<10000x128xf32>
    %dot_general3A_24 = tpu.matmul %mul3A_20, %get3A_23, %dot_general3A {dimension_numbers = #tpu.dot_dimension_numbers<[1], [0], [0], [1], [0, 0, 1, 1], [], []>, transpose_lhs_hint = false} : vector<10000x128xf32>, vector<128x128xf32>, vector<10000x128xf32> -> vector<10000x128xf32>
    %swap3A = arith.constant 0 : index
    %swap3A_25 = arith.constant 0 : index
    %swap3A_26 = vector.load %arg3[%swap3A, %swap3A_25] : memref<10240x128xf32, #tpu.memory_space<vmem>>, vector<10000x128xf32>
    tpu.vector_store %arg3[%swap3A, %swap3A_25], %dot_general3A_24 {strides = array<i32>} : memref<10240x128xf32, #tpu.memory_space<vmem>>, vector<10000x128xf32>,
    %rsqrt3A_27 = math.rsqrt %max3A_16 : vector<10000xf32>
    %broadcast_in_dim3A_28 = vector.shape_cast %rsqrt3A_27 : vector<10000xf32> to vector<10000x1xf32>
    %swap3A_29 = arith.constant 0 : index
    %swap3A_30 = arith.constant 0 : index
    %swap3A_31 = vector.load %arg4[%swap3A_29, %swap3A_30] : memref<10000x1xf32, #tpu.memory_space<vmem>>, vector<10000x1xf32>
    tpu.vector_store %arg4[%swap3A_29, %swap3A_30], %broadcast_in_dim3A_28 {strides = array<i32>} : memref<10000x1xf32, #tpu.memory_space<vmem>>, vector<10000x1xf32>,
    return
  }
}

module attributes {stable_mosaic.version = 14 : i64} {
  func.func @_dense2_body(%arg0: memref<2x10240x128xf32, #tpu.memory_space<vmem>>, %arg1: memref<10000x1xf32, #tpu.memory_space<vmem>>, %arg2: memref<128xf32, #tpu.memory_space<vmem>>, %arg3: memref<128xf32, #tpu.memory_space<vmem>>, %arg4: memref<10000x128xf32, #tpu.memory_space<vmem>>) attributes {dimension_semantics = [], scalar_prefetch = 0 : i64, scratch_operands = 0 : i64, tpu.core_type = #tpu.core_type<tc>} {
    %get3A = arith.constant 0 : index
    %get3A_0 = arith.constant 0 : index
    %get3A_1 = arith.constant 0 : index
    %get3A_2 = vector.load %arg0[%get3A, %get3A_0, %get3A_1] : memref<2x10240x128xf32, #tpu.memory_space<vmem>>, vector<1x10000x128xf32>
    %get3A_3 = vector.shape_cast %get3A_2 : vector<1x10000x128xf32> to vector<10000x128xf32>
    %get3A_4 = arith.constant 1 : index
    %get3A_5 = arith.constant 0 : index
    %get3A_6 = arith.constant 0 : index
    %get3A_7 = vector.load %arg0[%get3A_4, %get3A_5, %get3A_6] : memref<2x10240x128xf32, #tpu.memory_space<vmem>>, vector<1x10000x128xf32>
    %get3A_8 = vector.shape_cast %get3A_7 : vector<1x10000x128xf32> to vector<10000x128xf32>
    %add3A = arith.addf %get3A_3, %get3A_8 : vector<10000x128xf32>
    %get3A_9 = arith.constant 0 : index
    %get3A_10 = arith.constant 0 : index
    %get3A_11 = vector.load %arg1[%get3A_9, %get3A_10] : memref<10000x1xf32, #tpu.memory_space<vmem>>, vector<10000x1xf32>
    %mul3A = vector.broadcast %get3A_11 : vector<10000x1xf32> to vector<10000x128xf32>
    %mul3A_12 = arith.mulf %add3A, %mul3A : vector<10000x128xf32>
    %reduce_sum3A = arith.constant dense<0.000000e+00> : vector<128xf32>
    %reduce_sum3A_13 = vector.multi_reduction <add>, %mul3A_12, %reduce_sum3A [0] : vector<10000x128xf32> to vector<128xf32>
    %div3A = arith.constant 1.000000e+04 : f32
    %div3A_14 = vector.broadcast %div3A : f32 to vector<128xf32>
    %div3A_15 = arith.divf %reduce_sum3A_13, %div3A_14 : vector<128xf32>
    %broadcast_in_dim3A = vector.shape_cast %div3A_15 : vector<128xf32> to vector<1x128xf32>
    %sub3A = vector.broadcast %broadcast_in_dim3A : vector<1x128xf32> to vector<10000x128xf32>
    %sub3A_16 = arith.subf %mul3A_12, %sub3A : vector<10000x128xf32>
    %square3A = arith.mulf %sub3A_16, %sub3A_16 : vector<10000x128xf32>
    %reduce_sum3A_17 = arith.constant dense<0.000000e+00> : vector<128xf32>
    %reduce_sum3A_18 = vector.multi_reduction <add>, %square3A, %reduce_sum3A_17 [0] : vector<10000x128xf32> to vector<128xf32>
    %div3A_19 = arith.constant 1.000000e+04 : f32
    %div3A_20 = vector.broadcast %div3A_19 : f32 to vector<128xf32>
    %div3A_21 = arith.divf %reduce_sum3A_18, %div3A_20 : vector<128xf32>
    %broadcast_in_dim3A_22 = vector.shape_cast %div3A_15 : vector<128xf32> to vector<1x128xf32>
    %sub3A_23 = vector.broadcast %broadcast_in_dim3A_22 : vector<1x128xf32> to vector<10000x128xf32>
    %sub3A_24 = arith.subf %mul3A_12, %sub3A_23 : vector<10000x128xf32>
    %add3A_25 = arith.constant 9.99999974E-6 : f32
    %add3A_26 = vector.broadcast %add3A_25 : f32 to vector<128xf32>
    %add3A_27 = arith.addf %div3A_21, %add3A_26 : vector<128xf32>
    %rsqrt3A = math.rsqrt %add3A_27 : vector<128xf32>
    %broadcast_in_dim3A_28 = vector.shape_cast %rsqrt3A : vector<128xf32> to vector<1x128xf32>
    %mul3A_29 = vector.broadcast %broadcast_in_dim3A_28 : vector<1x128xf32> to vector<10000x128xf32>
    %mul3A_30 = arith.mulf %sub3A_24, %mul3A_29 : vector<10000x128xf32>
    %get3A_31 = arith.constant 0 : index
    %get3A_32 = vector.load %arg2[%get3A_31] : memref<128xf32, #tpu.memory_space<vmem>>, vector<128xf32>
    %broadcast_in_dim3A_33 = vector.shape_cast %get3A_32 : vector<128xf32> to vector<1x128xf32>
    %mul3A_34 = vector.broadcast %broadcast_in_dim3A_33 : vector<1x128xf32> to vector<10000x128xf32>
    %mul3A_35 = arith.mulf %mul3A_30, %mul3A_34 : vector<10000x128xf32>
    %get3A_36 = arith.constant 0 : index
    %get3A_37 = vector.load %arg3[%get3A_36] : memref<128xf32, #tpu.memory_space<vmem>>, vector<128xf32>
    %broadcast_in_dim3A_38 = vector.shape_cast %get3A_37 : vector<128xf32> to vector<1x128xf32>
    %add3A_39 = vector.broadcast %broadcast_in_dim3A_38 : vector<1x128xf32> to vector<10000x128xf32>
    %add3A_40 = arith.addf %mul3A_35, %add3A_39 : vector<10000x128xf32>
    %swap3A = arith.constant 0 : index
    %swap3A_41 = arith.constant 0 : index
    %swap3A_42 = vector.load %arg4[%swap3A, %swap3A_41] : memref<10000x128xf32, #tpu.memory_space<vmem>>, vector<10000x128xf32>
    tpu.vector_store %arg4[%swap3A, %swap3A_41], %add3A_40 {strides = array<i32>} : memref<10000x128xf32, #tpu.memory_space<vmem>>, vector<10000x128xf32>,
    return
  }
}

</mosaic_0001>

<sc_bundles>
// kernel: kernel.6.cloned.1.call-start
scs
__scs_entry_jumppad:
0x0: {  	(pc) =	sbr.rel $0x88, $3  }
0x1: {  	(tag) =	ssettag $0x0;
	lr =	simm.s32 $0x1  }
0x2: {  	[smem:$0x3F9C] =	sst lr;
	_ =	strace $0xD0000000  }
0x3: {  	_ = 	snop  }
0x4: {  	_ = 	snop  }
0x5: {  	_ = 	snop  }
0x6: {  	_ = 	snop  }
0x7: {  	_ = 	snop  }
__scs_overlays_trampoline_lowered:
0x8: {  	[smem:$0x3FAB] =	sst s0  }
0x9: {  	[smem:$0x3FAC] =	sst s1  }
0xa: {  	[smem:$0x3FAD] =	sst s2  }
0xb: {  	[smem:$0x3FAE] =	sst s3  }
0xc: {  	[smem:$0x3FAF] =	sst s4  }
0xd: {  	[smem:$0x3FB0] =	sst s5  }
0xe: {  	[smem:$0x3FB1] =	sst s6  }
0xf: {  	[smem:$0x3FB2] =	sst s7  }
0x10: {  	[smem:$0x3FB3] =	sst s8  }
0x11: {  	[smem:$0x3FB4] =	sst s9;
	s0 =	simm.s32 @!p0 $0x0  }
0x12: {  	s1 =	sld [smem:$0x3F9A];
	s0 =	simm.s32 @p0 $0x1  }
0x13: {  	[smem:$0x3FB5] =	sst s0;
	s0 =	simm.s32 @!p1 $0x0  }
0x14: {  	s2 =	sld [smem:$0x3F99];
	s0 =	simm.s32 @p1 $0x1  }
0x15: {  	[smem:$0x3FB6] =	sst s0;
	s0 =	simm.s32 @!p2 $0x0  }
0x16: {  	s3 =	sld [smem:$0x3FDB];
	s0 =	simm.s32 @p2 $0x1  }
0x17: {  	s4 =	simm.s32 $0x1BF5;
	[smem:$0x3FB8] =	sst s0  }
0x18: {  	s0 =	sld [smem:$0x3F9B];
	_ =	swait.ge [sflag:s4], $0x0  }
0x19: {  	s7 =	sld [smem:$0x3F9C]  }
0x1a: {  	s8 =	sadd.s32 $0xFFFFE003, lr  }
0x1b: {  	s9 =	sadd.s32 $0xFFFFFEF7, lr;
	s5 =	simm.s32 $0xFFFFFFFF;
	p2 =	slt.u32 s8, $0xFFFFF086  }
0x1c: {  	p1 =	slt.u32 s9, $0xF7A;
	s5 =	simm.s32 @!p2 $0x0  }
0x1d: {  	s5 =	simm.s32 @p1 $0x1;
	p0 =	seq.s32 s7, s2  }
0x1e: {  	s7 =	smul.u32 @!p0 $0xF7A, s2;
	p2 =	seq.s32 @!p0 s5, $0x0  }
0x1f: {  	s9 =	smul.u32 $0xF7A, s1;
	s8 =	simm.s32 @!p0 $0x1BF5;
	p2 =	por !p2, p0  }
0x20: {  	[sflag:s8] =	ssyncset.s32 @!p0 $0xFFFFF086;
	s6 =	sadd.s32 @!p0 s3, s7;
	s7 =	simm.s32 @!p0 $0x108  }
0x21: {  	s3 =	sadd.s32 s3, s9;
	s6 =	sadd.s32 @!p0 $0x88, s6;
	s7 =	simm.s32 @p2 $0x1082  }
0x22: {  	[simem:s7], [sflag:s8] =	dma.local @!p0 [hbm:s6], $0xF7A  }
0x23: {  	s9 =	sor.u32 $0xD0000000, s2;
	s6 =	simm.s32 $0x108;
	_ =	swait.ge @!p0 [sflag:s8], $0x0  }
0x24: {  	s3 =	sadd.s32 $0x88, s3;
	s6 =	simm.s32 @!p1 $0x1082;
	[sflag:s4] =	ssyncset.s32 $0xFFFFF086  }
0x25: {  	[simem:s6], [sflag:s4] =	dma.local [hbm:s3], $0xF7A  }
0x26: {  	[smem:$0x3F9C] =	sst s1;
	(tag) =	ssettag s2;
	_ =	strace s9  }
0x27: {  	s1 =	sld [smem:$0x3FAC]  }
0x28: {  	s2 =	sld [smem:$0x3FAD]  }
0x29: {  	s4 =	sld [smem:$0x3FAF]  }
0x2a: {  	p0 =	seq.s32 s5, $0x0;
	s5 =	sld [smem:$0x3FB0]  }
0x2b: {  	s6 =	sld [smem:$0x3FB1]  }
0x2c: {  	s7 =	sld [smem:$0x3FB2]  }
0x2d: {  	s3 =	simm.s32 $0x108;
	s8 =	sld [smem:$0x3FB3]  }
0x2e: {  	s3 =	simm.s32 @!p0 $0x1082;
	s9 =	sld [smem:$0x3FB4]  }
0x2f: {  	lr =	sadd.s32 s0, s3;
	s0 =	sld [smem:$0x3FAB]  }
0x30: {  	s3 =	sld [smem:$0x3FAE]  }
0x31: {  	[smem:$0x3FB7] =	sst s10  }
0x32: {  	s10 =	sld [smem:$0x3FB5];
	_ =	sdelay $0x3  }
0x33: {  	p0 =	seq.s32 s10, $0x1;
	s10 =	sld [smem:$0x3FB7];
	_ =	sdelay $0x3  }
0x34: {  	[smem:$0x3FB7] =	sst s10  }
0x35: {  	s10 =	sld [smem:$0x3FB6];
	_ =	sdelay $0x3  }
0x36: {  	p1 =	seq.s32 s10, $0x1;
	s10 =	sld [smem:$0x3FB7];
	_ =	sdelay $0x3  }
0x37: {  	[smem:$0x3FB7] =	sst s10  }
0x38: {  	s10 =	sld [smem:$0x3FB8]  }
0x39: {  	_ = 	snop;
	(pc) =	sbr.ind lr, $3  }
0x3a: {  	_ = 	snop  }
0x3b: {  	_ = 	snop  }
0x3c: {  	p2 =	seq.s32 s10, $0x1;
	s10 =	sld [smem:$0x3FB7]  }
0x3d: {  	_ =	shalt  }
0x3e: {  	_ =	shalt  }
0x3f: {  	_ =	shalt  }
0x40: {  	_ =	shalt  }
0x41: {  	_ =	shalt  }
0x42: {  	_ =	shalt  }
0x43: {  	_ =	shalt  }
0x44: {  	_ =	shalt  }
0x45: {  	_ =	shalt  }
0x46: {  	_ =	shalt  }
0x47: {  	_ =	shalt  }
0x48: {  	_ =	shalt  }
0x49: {  	_ =	shalt  }
0x4a: {  	_ =	shalt  }
0x4b: {  	_ =	shalt  }
0x4c: {  	_ =	shalt  }
0x4d: {  	_ =	shalt  }
0x4e: {  	_ =	shalt  }
0x4f: {  	_ =	shalt  }
0x50: {  	_ =	shalt  }
0x51: {  	_ =	shalt  }
0x52: {  	_ =	shalt  }
0x53: {  	_ =	shalt  }
0x54: {  	_ =	shalt  }
0x55: {  	_ =	shalt  }
0x56: {  	_ =	shalt  }
0x57: {  	_ =	shalt  }
0x58: {  	_ =	shalt  }
0x59: {  	_ =	shalt  }
0x5a: {  	_ =	shalt  }
0x5b: {  	_ =	shalt  }
0x5c: {  	_ =	shalt  }
0x5d: {  	_ =	shalt  }
0x5e: {  	_ =	shalt  }
0x5f: {  	_ =	shalt  }
0x60: {  	_ =	shalt  }
0x61: {  	_ =	shalt  }
0x62: {  	_ =	shalt  }
0x63: {  	_ =	shalt  }
0x64: {  	_ =	shalt  }
0x65: {  	_ =	shalt  }
0x66: {  	_ =	shalt  }
0x67: {  	_ =	shalt  }
0x68: {  	_ =	shalt  }
0x69: {  	_ =	shalt  }
0x6a: {  	_ =	shalt  }
0x6b: {  	_ =	shalt  }
0x6c: {  	_ =	shalt  }
0x6d: {  	_ =	shalt  }
0x6e: {  	_ =	shalt  }
0x6f: {  	_ =	shalt  }
0x70: {  	_ =	shalt  }
0x71: {  	_ =	shalt  }
0x72: {  	_ =	shalt  }
0x73: {  	_ =	shalt  }
0x74: {  	_ =	shalt  }
0x75: {  	_ =	shalt  }
0x76: {  	_ =	shalt  }
0x77: {  	_ =	shalt  }
0x78: {  	_ =	shalt  }
0x79: {  	_ =	shalt  }
0x7a: {  	_ =	shalt  }
0x7b: {  	_ =	shalt  }
0x7c: {  	_ =	shalt  }
0x7d: {  	_ =	shalt  }
0x7e: {  	_ =	shalt  }
0x7f: {  	_ =	shalt  }
0x80: {  	_ =	shalt  }
0x81: {  	_ =	shalt  }
0x82: {  	_ =	shalt  }
0x83: {  	_ =	shalt  }
0x84: {  	_ =	shalt  }
0x85: {  	_ =	shalt  }
0x86: {  	_ =	shalt  }
0x87: {  	_ =	shalt  }
.Lfunc_end0:
.L_simem_size_0:
called_computation_lowered:
.L_overlay_start_0:
0x88: {  	s2 =	sld [smem:$0x3FD9]  }
0x89: {  	s3 =	sld [smem:$0x3FFE];
	_ =	sdelay $0x1  }
0x8a: {  	s1 =	srdreg.scid  }
0x8b: {  	s0 =	sand.u32 $0x1, s1  }
0x8c: {  	s17 =	sshll.u32 s0, $0xA;
	s2 =	sadd.s32 s3, s2  }
0x8d: {  	s2 =	sadd.s32 s2, s17  }
0x8e: {  	[smem:$0x3FC3] =	sst s2  }
0x8f: {  	_ = 	snop  }
0x90: {  	s2 =	sld [smem:$0x3FD0];
	(tm) =	ssettm $0x1  }
0x91: {  	s18 =	sld [smem:$0x3FFB];
	_ =	sdelay $0x3  }
0x92: {  	_ =	strace s18  }
0x93: {  	s3 =	sld [smem:$0x3FFC];
	_ =	sdelay $0x3  }
0x94: {  	_ =	strace s3  }
0x95: {  	s3 =	sld [smem:$0x3FFD];
	_ =	sdelay $0x3  }
0x96: {  	_ =	strace s3  }
0x97: {  	_ =	strace $0x8FFFFFFF  }
0x98: {  	s19 =	sld [smem:$0x3FDB];
	_ =	sdelay $0x1  }
0x99: {  	s4 =	simm.s32 $_scs_section_size  }
0x9a: {  	s5 =	simm.s32 $_size__tile_overlayer_lowered;
	s6 =	simm.s32 $_tile_overlayer_lowered  }
0x9b: {  	s22 =	simm.s32 $0x1BFF;
	s21 =	sshll.u32 s6, $0x1;
	s3 =	sadd.s32 s4, s19  }
0x9c: {  	s7 =	simm.s32 $0x0;
	s20 =	sshll.u32 s5, $0x1;
	s5 =	sadd.s32 s21, s3  }
0x9d: {  	[timem:s7], [sflag:s22] =	dma.local [hbm:s5], s20  }
0x9e: {  	_ =	swait.ge [sflag:s22], s20  }
0x9f: {  	s4 =	ssub.s32 $0x0, s20;
	[sflag:s22] =	ssyncset.done $0x0  }
0xa0: {  	[sflag:s22] =	ssyncadd.s32 s4;
	_ =	sdelay $0x1  }
0xa1: {  	s23 =	simm.s32 $0x1B8B  }
0xa2: {  	_ =	swait.ge [sflag:s23], $0x1  }
0xa3: {  	[sflag:s23] =	ssyncset.done $0x0  }
0xa4: {  	s25 =	simm.s32 $0x1B8E;
	s24 =	sld [smem:$0x3FFE];
	[sflag:s23] =	ssyncadd.s32 $0xFFFFFFFF  }
0xa5: {  	s26 =	simm.s32 $execute0_lowered;
	[smem:$0x3FD2] =	sst s25  }
0xa6: {  	s5 =	sshll.u32 s26, $0x1;
	_ =	strace $0x80000046;
	[dreg:$0x1] =	wrdreg $0xFFFFFFFF  }
0xa7: {  	s28 =	simm.s32 $_size_execute0_lowered;
	s3 =	sadd.s32 s3, s5;
	[dreg:$0x0] =	wrdreg $0x0  }
0xa8: {  	s5 =	sshll.u32 s28, $0x1;
	[dreg:$0x2] =	wrdreg s3  }
0xa9: {  	[dreg:$0x3] =	wrdreg s5  }
0xaa: {  	[dreg:$0x4] =	wrdreg $0xC0  }
0xab: {  	_ =	task [dreg:s7], $0x5FFFF  }
0xac: {  	[dreg:$0x1] =	wrdreg $0xFFFFFFFF  }
0xad: {  	[dreg:$0x0] =	wrdreg $0x60  }
0xae: {  	[dreg:$0x2] =	wrdreg s24  }
0xaf: {  	[dreg:$0x3] =	wrdreg s2  }
0xb0: {  	[dreg:$0x4] =	wrdreg $0x9  }
0xb1: {  	_ =	task.clear_ibuf [dreg:s7], $0x5FFFF;
	_ =	strace $0x90000046  }
0xb2: {  	s29 =	simm.s32 $0x9;
	_ =	strace $0x80000048  }
0xb3: {  	_ =	swait.ge [sflag:s29], $0x1  }
0xb4: {  	[sflag:s29] =	ssyncadd.s32 $0xFFFFFFFF  }
0xb5: {  	_ =	strace $0x90000048  }
0xb6: {  	_ =	sfence  }
0xb7: {  	s30 =	sld [smem:$0x0];
	_ =	sdelay $0x2  }
0xb8: {  	s31 =	sshll.u32 s1, $0xD;
	s1 =	sshrl.u32 s1, $0x2  }
0xb9: {  	s3 =	sand.u32 $0x4000, s31;
	s1 =	sadd.s32 s1, s30  }
0xba: {  	s0 =	sor.u32 s3, s0;
	s1 =	sshll.u32 s1, $0x11  }
0xbb: {  	s0 =	sor.u32 s1, s0  }
0xbc: {  	s0 =	sadd.s32 $0x8F2B, s0  }
0xbd: {  	[sflag:s0] =	ssyncadd.remote.s32 $0x1  }
0xbe: {  	_ =	sfence.sel $0xFFFF  }
0xbf: {  	[dreg:$0x0] =	wrdreg $0xFFFFFFFF;
	(pc) =	sbr.abs _section_cstart, $3  }
0xc0: {  	[dreg:$0x1] =	wrdreg $0xFFFFFFFF  }
0xc1: {  	_ =	task.clear_ibuf [dreg:s7], $0x2FFFF;
	_ =	strace $0x9FFFFFFF  }
0xc2: {  	(tm) =	ssettm $0x7FFFFFFF  }
0xc3: {  	_ =	shalt  }
tec
execute0_lowered:
.L_overlay_start_1:
0x0: {  	(tag) =	ssettag $0x1  }
0x1: {  	s1 =	srdreg.scid;
	s0 =	stileid.u32  }
0x2: {  	s3 =	rddreg [dreg:$0x0];
	s4 =	sand.u32 $0x1, s1;
	s30 =	sshll.u32 s0, $0x1  }
0x3: {  	s5 =	rddreg [dreg:$0x1];
	s2 =	simm.s32 $0x0;
	s6 =	sor.u32 s4, s30  }
0x4: {  	s10 =	simm.s32 $0x4F00;
	s11 =	simm.s32 $0x7680;
	s7 =	smul.u32 $0x4E2, s6  }
0x5: {  	s12 =	simm.s32 $0x0;
	[smem:$0x7FF] =	sst s2;
	s6 =	smul.u32 $0x2710, s6  }
0x6: {  	s1 =	rddreg [dreg:$0x2];
	_ =	strace $0x80000047;
	s4 =	ssub.s32 $0x2, s4  }
0x7: {  	s31 =	sshrl.u32 s4, $0x1;
	s8 =	sadd.s32 s7, s3;
	s6 =	sshrl.u32 s6, $0x3  }
0x8: {  	s9 =	ssub.s32 s4, s31;
	s3 =	sadd.s32 $0xB200, s8;
	s6 =	sadd.s32 s5, s6  }
0x9: {  	s4 =	sadd.s32 $0x1400, s8;
	s5 =	sadd.s32 s5, s7;
	s7 =	smax.u32 s9, $0x1  }
0xa: {  	v0 =	vimm.f32 $0.0e+00;
	v1 =	vimm.f32 $1.000000000e+00;
	s8 =	simm.s32 $0x1;
	s9 =	simm.s32 $0x2780;
	s6 =	sadd.s32 $0x9C40, s6  }
.LBB2_1:
0xb: {  	[tilespmem:s2], [sflag:$0x1] =	stream.linear.gather [hbm4b:s3+s2], $0x2710, $0x38;
	[tilespmem:$0x9E00] =	vst v63  }
0xc: {  	_ =	swait.ge [sflag:s8], $0x2710  }
0xd: {  	[sflag:s8] =	ssyncset.done $0x0  }
0xe: {  	[sflag:s8] =	ssyncadd.s32 $0xFFFFD8F0  }
0xf: {  	[tilespmem:s9], [sflag:$0x1] =	stream.linear.gather [hbm4b:s4+s2], $0x2710, $0x38;
	[tilespmem:$0x9E00] =	vst v63  }
0x10: {  	_ =	swait.ge [sflag:s8], $0x2710  }
0x11: {  	[sflag:s8] =	ssyncset.done $0x0  }
0x12: {  	s13 =	simm.s32 $0x0;
	[sflag:s8] =	ssyncadd.s32 $0xFFFFD8F0  }
.LBB2_2:
0x13: {  	p0 =	sne.s32 s13, $0x9C00  }
.Ltmp0:
0x14: {  	_ = 	snop;
	(pc) =	sbr.rel @p0 .LBB2_2-.Ltmp0, $4  }
0x15: {  	_ = 	snop  }
0x16: {  	s14 =	sshra.s32 s13, $0x2  }
0x17: {  	[tilespmem:s14+$0x4F00] =	vst v0  }
0x18: {  	s13 =	sadd.s32 $0x40, s13;
	[tilespmem:s14+$0x7680] =	vst v0  }
0x19: {  	s14 =	simm.s32 $0x0;
	s13 =	simm.s32 $0x40  }
.LBB2_4:
0x1a: {  	p0 =	sne.s32 s13, $0x9C00;
	v2 =	vld [tilespmem:s14+$0x0];
	_ =	sdelay $0x7  }
0x1b: {  	[tilespmem:v2+s10+$0x0] =	vst.idx.add.f32.msk $0xffff, v1  }
0x1c: {  	v2 =	vld [tilespmem:s14+$0x2780];
	_ =	sdelay $0x3  }
.Ltmp1:
0x1d: {  	(pc) =	sbr.rel @p0 .LBB2_4-.Ltmp1, $2  }
0x1e: {  	_ =	sdelay $0x2  }
0x1f: {  	s14 =	sshra.s32 s13, $0x2;
	s13 =	sadd.s32 $0x40, s13;
	[tilespmem:v2+s11+$0x0] =	vst.idx.add.f32.msk $0xffff, v1  }
0x20: {  	v2 =	vld [tilespmem:s14+$0x0];
	_ =	sdelay $0x7  }
0x21: {  	[tilespmem:v2+s10+$0x0] =	vst.idx.add.f32.msk $0xffff, v1  }
0x22: {  	v2 =	vld [tilespmem:s14+$0x2780];
	_ =	sdelay $0x7  }
0x23: {  	[tilespmem:v2+s11+$0x0] =	vst.idx.add.f32.msk $0xffff, v1  }
0x24: {  	[hbm4b:s5+s2] =	stream.linear.scatter [tilespmem:s10], [sflag:$0x1], $0x2710, $0x38;
	[tilespmem:$0x9E00] =	vst v63  }
0x25: {  	s12 =	sadd.s32 $0x1, s12;
	_ =	swait.ge [sflag:s8], $0x2710  }
0x26: {  	p0 =	sne.s32 s12, s7;
	[sflag:s8] =	ssyncset.done $0x0  }
.Ltmp2:
0x27: {  	[sflag:s8] =	ssyncadd.s32 $0xFFFFD8F0;
	(pc) =	sbr.rel @p0 .LBB2_1-.Ltmp2, $4  }
0x28: {  	[hbm4b:s6+s2] =	stream.linear.scatter [tilespmem:s11], [sflag:$0x1], $0x2710, $0x38;
	[tilespmem:$0x9E00] =	vst v63  }
0x29: {  	_ =	swait.ge [sflag:s8], $0x2710  }
0x2a: {  	[sflag:s8] =	ssyncset.done $0x0  }
0x2b: {  	[sflag:s8] =	ssyncadd.s32 $0xFFFFD8F0  }
0x2c: {  	_ =	sfence.sel $0x180000  }
0x2d: {  	[bflag:$0x0] =	sbarrier.arrive $0xFFFF  }
0x2e: {  	p0 =	sne.s32 s0, $0x0;
	_ =	strace $0x90000047  }
0x2f: {  	s0 =	sadd.s32 @!p0 $0x100000, s1;
	[bflag:$0x2] =	sbarrier.arrive $0xFFFF  }
0x30: {  	[sflag:s0] =	ssyncadd.tile.s32 @!p0 $0x1;
	_ =	shalt  }
.Lfunc_end2:
_tile_overlayer_lowered:
.L_overlay_start_2:
0x31: {  	(tag) =	ssettag $0x2  }
0x32: {  	s0 =	rddreg [dreg:$0x0];
	s2 =	stileid.u32  }
0x33: {  	s1 =	rddreg [dreg:$0x1];
	p0 =	sne.s32 s2, $0x0  }
0x34: {  	s3 =	rddreg [dreg:$0x2];
	[bflag:$0x3] =	sbarrier.arrive $0xFFFF;
	s2 =	simm.s32 @!p0 $0x1C01  }
0x35: {  	[timem:s3], [sflag:s2] =	dma.local @!p0 [hbm:s0], s1  }
0x36: {  	s0 =	simm.s32 @!p0 $0x1  }
0x37: {  	_ =	swait.ge @!p0 [sflag:s0], s1  }
0x38: {  	s1 =	ssub.s32 @!p0 $0x0, s1;
	[sflag:s0] =	ssyncset.done @!p0 $0x0  }
0x39: {  	[sflag:s0] =	ssyncadd.s32 @!p0 s1  }
0x3a: {  	[bflag:$0x3] =	sbarrier.arrive $0xFFFF  }
0x3b: {  	_ =	shalt  }

// kernel: kernel.9.cloned.1.call-start
scs
__scs_entry_jumppad:
0x0: {  	(pc) =	sbr.rel $0x88, $3  }
0x1: {  	(tag) =	ssettag $0x0;
	lr =	simm.s32 $0x1  }
0x2: {  	[smem:$0x3F9C] =	sst lr;
	_ =	strace $0xD0000000  }
0x3: {  	_ = 	snop  }
0x4: {  	_ = 	snop  }
0x5: {  	_ = 	snop  }
0x6: {  	_ = 	snop  }
0x7: {  	_ = 	snop  }
__scs_overlays_trampoline_lowered:
0x8: {  	[smem:$0x3FAB] =	sst s0  }
0x9: {  	[smem:$0x3FAC] =	sst s1  }
0xa: {  	[smem:$0x3FAD] =	sst s2  }
0xb: {  	[smem:$0x3FAE] =	sst s3  }
0xc: {  	[smem:$0x3FAF] =	sst s4  }
0xd: {  	[smem:$0x3FB0] =	sst s5  }
0xe: {  	[smem:$0x3FB1] =	sst s6  }
0xf: {  	[smem:$0x3FB2] =	sst s7  }
0x10: {  	[smem:$0x3FB3] =	sst s8  }
0x11: {  	[smem:$0x3FB4] =	sst s9;
	s0 =	simm.s32 @!p0 $0x0  }
0x12: {  	s1 =	sld [smem:$0x3F9A];
	s0 =	simm.s32 @p0 $0x1  }
0x13: {  	[smem:$0x3FB5] =	sst s0;
	s0 =	simm.s32 @!p1 $0x0  }
0x14: {  	s2 =	sld [smem:$0x3F99];
	s0 =	simm.s32 @p1 $0x1  }
0x15: {  	[smem:$0x3FB6] =	sst s0;
	s0 =	simm.s32 @!p2 $0x0  }
0x16: {  	s3 =	sld [smem:$0x3FDB];
	s0 =	simm.s32 @p2 $0x1  }
0x17: {  	s4 =	simm.s32 $0x1BF5;
	[smem:$0x3FB8] =	sst s0  }
0x18: {  	s0 =	sld [smem:$0x3F9B];
	_ =	swait.ge [sflag:s4], $0x0  }
0x19: {  	s7 =	sld [smem:$0x3F9C]  }
0x1a: {  	s8 =	sadd.s32 $0xFFFFE003, lr  }
0x1b: {  	s9 =	sadd.s32 $0xFFFFFEF7, lr;
	s5 =	simm.s32 $0xFFFFFFFF;
	p2 =	slt.u32 s8, $0xFFFFF086  }
0x1c: {  	p1 =	slt.u32 s9, $0xF7A;
	s5 =	simm.s32 @!p2 $0x0  }
0x1d: {  	s5 =	simm.s32 @p1 $0x1;
	p0 =	seq.s32 s7, s2  }
0x1e: {  	s7 =	smul.u32 @!p0 $0xF7A, s2;
	p2 =	seq.s32 @!p0 s5, $0x0  }
0x1f: {  	s9 =	smul.u32 $0xF7A, s1;
	s8 =	simm.s32 @!p0 $0x1BF5;
	p2 =	por !p2, p0  }
0x20: {  	[sflag:s8] =	ssyncset.s32 @!p0 $0xFFFFF086;
	s6 =	sadd.s32 @!p0 s3, s7;
	s7 =	simm.s32 @!p0 $0x108  }
0x21: {  	s3 =	sadd.s32 s3, s9;
	s6 =	sadd.s32 @!p0 $0x88, s6;
	s7 =	simm.s32 @p2 $0x1082  }
0x22: {  	[simem:s7], [sflag:s8] =	dma.local @!p0 [hbm:s6], $0xF7A  }
0x23: {  	s9 =	sor.u32 $0xD0000000, s2;
	s6 =	simm.s32 $0x108;
	_ =	swait.ge @!p0 [sflag:s8], $0x0  }
0x24: {  	s3 =	sadd.s32 $0x88, s3;
	s6 =	simm.s32 @!p1 $0x1082;
	[sflag:s4] =	ssyncset.s32 $0xFFFFF086  }
0x25: {  	[simem:s6], [sflag:s4] =	dma.local [hbm:s3], $0xF7A  }
0x26: {  	[smem:$0x3F9C] =	sst s1;
	(tag) =	ssettag s2;
	_ =	strace s9  }
0x27: {  	s1 =	sld [smem:$0x3FAC]  }
0x28: {  	s2 =	sld [smem:$0x3FAD]  }
0x29: {  	s4 =	sld [smem:$0x3FAF]  }
0x2a: {  	p0 =	seq.s32 s5, $0x0;
	s5 =	sld [smem:$0x3FB0]  }
0x2b: {  	s6 =	sld [smem:$0x3FB1]  }
0x2c: {  	s7 =	sld [smem:$0x3FB2]  }
0x2d: {  	s3 =	simm.s32 $0x108;
	s8 =	sld [smem:$0x3FB3]  }
0x2e: {  	s3 =	simm.s32 @!p0 $0x1082;
	s9 =	sld [smem:$0x3FB4]  }
0x2f: {  	lr =	sadd.s32 s0, s3;
	s0 =	sld [smem:$0x3FAB]  }
0x30: {  	s3 =	sld [smem:$0x3FAE]  }
0x31: {  	[smem:$0x3FB7] =	sst s10  }
0x32: {  	s10 =	sld [smem:$0x3FB5];
	_ =	sdelay $0x3  }
0x33: {  	p0 =	seq.s32 s10, $0x1;
	s10 =	sld [smem:$0x3FB7];
	_ =	sdelay $0x3  }
0x34: {  	[smem:$0x3FB7] =	sst s10  }
0x35: {  	s10 =	sld [smem:$0x3FB6];
	_ =	sdelay $0x3  }
0x36: {  	p1 =	seq.s32 s10, $0x1;
	s10 =	sld [smem:$0x3FB7];
	_ =	sdelay $0x3  }
0x37: {  	[smem:$0x3FB7] =	sst s10  }
0x38: {  	s10 =	sld [smem:$0x3FB8]  }
0x39: {  	_ = 	snop;
	(pc) =	sbr.ind lr, $3  }
0x3a: {  	_ = 	snop  }
0x3b: {  	_ = 	snop  }
0x3c: {  	p2 =	seq.s32 s10, $0x1;
	s10 =	sld [smem:$0x3FB7]  }
0x3d: {  	_ =	shalt  }
0x3e: {  	_ =	shalt  }
0x3f: {  	_ =	shalt  }
0x40: {  	_ =	shalt  }
0x41: {  	_ =	shalt  }
0x42: {  	_ =	shalt  }
0x43: {  	_ =	shalt  }
0x44: {  	_ =	shalt  }
0x45: {  	_ =	shalt  }
0x46: {  	_ =	shalt  }
0x47: {  	_ =	shalt  }
0x48: {  	_ =	shalt  }
0x49: {  	_ =	shalt  }
0x4a: {  	_ =	shalt  }
0x4b: {  	_ =	shalt  }
0x4c: {  	_ =	shalt  }
0x4d: {  	_ =	shalt  }
0x4e: {  	_ =	shalt  }
0x4f: {  	_ =	shalt  }
0x50: {  	_ =	shalt  }
0x51: {  	_ =	shalt  }
0x52: {  	_ =	shalt  }
0x53: {  	_ =	shalt  }
0x54: {  	_ =	shalt  }
0x55: {  	_ =	shalt  }
0x56: {  	_ =	shalt  }
0x57: {  	_ =	shalt  }
0x58: {  	_ =	shalt  }
0x59: {  	_ =	shalt  }
0x5a: {  	_ =	shalt  }
0x5b: {  	_ =	shalt  }
0x5c: {  	_ =	shalt  }
0x5d: {  	_ =	shalt  }
0x5e: {  	_ =	shalt  }
0x5f: {  	_ =	shalt  }
0x60: {  	_ =	shalt  }
0x61: {  	_ =	shalt  }
0x62: {  	_ =	shalt  }
0x63: {  	_ =	shalt  }
0x64: {  	_ =	shalt  }
0x65: {  	_ =	shalt  }
0x66: {  	_ =	shalt  }
0x67: {  	_ =	shalt  }
0x68: {  	_ =	shalt  }
0x69: {  	_ =	shalt  }
0x6a: {  	_ =	shalt  }
0x6b: {  	_ =	shalt  }
0x6c: {  	_ =	shalt  }
0x6d: {  	_ =	shalt  }
0x6e: {  	_ =	shalt  }
0x6f: {  	_ =	shalt  }
0x70: {  	_ =	shalt  }
0x71: {  	_ =	shalt  }
0x72: {  	_ =	shalt  }
0x73: {  	_ =	shalt  }
0x74: {  	_ =	shalt  }
0x75: {  	_ =	shalt  }
0x76: {  	_ =	shalt  }
0x77: {  	_ =	shalt  }
0x78: {  	_ =	shalt  }
0x79: {  	_ =	shalt  }
0x7a: {  	_ =	shalt  }
0x7b: {  	_ =	shalt  }
0x7c: {  	_ =	shalt  }
0x7d: {  	_ =	shalt  }
0x7e: {  	_ =	shalt  }
0x7f: {  	_ =	shalt  }
0x80: {  	_ =	shalt  }
0x81: {  	_ =	shalt  }
0x82: {  	_ =	shalt  }
0x83: {  	_ =	shalt  }
0x84: {  	_ =	shalt  }
0x85: {  	_ =	shalt  }
0x86: {  	_ =	shalt  }
0x87: {  	_ =	shalt  }
.Lfunc_end0:
.L_simem_size_0:
called_computation.1_lowered:
.L_overlay_start_0:
0x88: {  	s2 =	sld [smem:$0x3FD9]  }
0x89: {  	s3 =	sld [smem:$0x3FFE];
	_ =	sdelay $0x1  }
0x8a: {  	s1 =	srdreg.scid  }
0x8b: {  	s0 =	sand.u32 $0x1, s1  }
0x8c: {  	s16 =	sshll.u32 s0, $0xA;
	s2 =	sadd.s32 s3, s2  }
0x8d: {  	s2 =	sadd.s32 s2, s16  }
0x8e: {  	[smem:$0x3FC3] =	sst s2  }
0x8f: {  	_ = 	snop  }
0x90: {  	(tm) =	ssettm $0x1  }
0x91: {  	s17 =	sld [smem:$0x3FFB];
	_ =	sdelay $0x3  }
0x92: {  	_ =	strace s17  }
0x93: {  	s2 =	sld [smem:$0x3FFC];
	_ =	sdelay $0x3  }
0x94: {  	_ =	strace s2  }
0x95: {  	s2 =	sld [smem:$0x3FFD];
	_ =	sdelay $0x3  }
0x96: {  	_ =	strace s2  }
0x97: {  	_ =	strace $0x8FFFFFFF  }
0x98: {  	s18 =	sld [smem:$0x3FDB];
	_ =	sdelay $0x1  }
0x99: {  	s19 =	simm.s32 $_scs_section_size  }
0x9a: {  	s4 =	simm.s32 $_size__tile_overlayer_lowered;
	s5 =	simm.s32 $_tile_overlayer_lowered  }
0x9b: {  	s22 =	simm.s32 $0x1BFF;
	s21 =	sshll.u32 s5, $0x1;
	s2 =	sadd.s32 s19, s18  }
0x9c: {  	s6 =	simm.s32 $0x0;
	s20 =	sshll.u32 s4, $0x1;
	s4 =	sadd.s32 s21, s2  }
0x9d: {  	[timem:s6], [sflag:s22] =	dma.local [hbm:s4], s20  }
0x9e: {  	_ =	swait.ge [sflag:s22], s20  }
0x9f: {  	s3 =	ssub.s32 $0x0, s20;
	[sflag:s22] =	ssyncset.done $0x0  }
0xa0: {  	[sflag:s22] =	ssyncadd.s32 s3;
	_ =	sdelay $0x1  }
0xa1: {  	s23 =	simm.s32 $0x1B8B  }
0xa2: {  	_ =	swait.ge [sflag:s23], $0x1  }
0xa3: {  	[sflag:s23] =	ssyncset.done $0x0  }
0xa4: {  	s25 =	simm.s32 $0x1B8E;
	s24 =	sld [smem:$0x3FFE];
	[sflag:s23] =	ssyncadd.s32 $0xFFFFFFFF  }
0xa5: {  	s26 =	simm.s32 $execute0_lowered;
	[smem:$0x3FD2] =	sst s25  }
0xa6: {  	s4 =	sshll.u32 s26, $0x1;
	_ =	strace $0x80000049;
	[dreg:$0x1] =	wrdreg $0xFFFFFFFF  }
0xa7: {  	s28 =	simm.s32 $_size_execute0_lowered;
	s2 =	sadd.s32 s2, s4;
	[dreg:$0x0] =	wrdreg $0x0  }
0xa8: {  	s4 =	sshll.u32 s28, $0x1;
	[dreg:$0x2] =	wrdreg s2  }
0xa9: {  	[dreg:$0x3] =	wrdreg s4  }
0xaa: {  	[dreg:$0x4] =	wrdreg $0xC0  }
0xab: {  	_ =	task [dreg:s6], $0x5FFFF  }
0xac: {  	[dreg:$0x1] =	wrdreg $0xFFFFFFFF  }
0xad: {  	[dreg:$0x0] =	wrdreg $0x60  }
0xae: {  	[dreg:$0x2] =	wrdreg s24  }
0xaf: {  	[dreg:$0x3] =	wrdreg $0xA4000  }
0xb0: {  	[dreg:$0x4] =	wrdreg $0x9  }
0xb1: {  	_ =	task.clear_ibuf [dreg:s6], $0x5FFFF;
	_ =	strace $0x90000049  }
0xb2: {  	s29 =	simm.s32 $0x9;
	_ =	strace $0x8000004B  }
0xb3: {  	_ =	swait.ge [sflag:s29], $0x1  }
0xb4: {  	[sflag:s29] =	ssyncadd.s32 $0xFFFFFFFF  }
0xb5: {  	_ =	strace $0x9000004B  }
0xb6: {  	_ =	sfence  }
0xb7: {  	s30 =	sld [smem:$0x0];
	_ =	sdelay $0x2  }
0xb8: {  	s31 =	sshll.u32 s1, $0xD;
	s1 =	sshrl.u32 s1, $0x2  }
0xb9: {  	s3 =	sand.u32 $0x4000, s31;
	s1 =	sadd.s32 s1, s30  }
0xba: {  	s0 =	sor.u32 s3, s0;
	s1 =	sshll.u32 s1, $0x11  }
0xbb: {  	s0 =	sor.u32 s1, s0  }
0xbc: {  	s0 =	sadd.s32 $0x8F2B, s0  }
0xbd: {  	[sflag:s0] =	ssyncadd.remote.s32 $0x1  }
0xbe: {  	_ =	sfence.sel $0xFFFF  }
0xbf: {  	[dreg:$0x0] =	wrdreg $0xFFFFFFFF;
	(pc) =	sbr.abs _section_cstart, $3  }
0xc0: {  	[dreg:$0x1] =	wrdreg $0xFFFFFFFF  }
0xc1: {  	_ =	task.clear_ibuf [dreg:s6], $0x2FFFF;
	_ =	strace $0x9FFFFFFF  }
0xc2: {  	(tm) =	ssettm $0x7FFFFFFF  }
0xc3: {  	_ =	shalt  }
tec
execute0_lowered:
.L_overlay_start_1:
0x0: {  	(tag) =	ssettag $0x1  }
0x1: {  	s0 =	rddreg [dreg:$0x0]  }
0x2: {  	s20 =	rddreg [dreg:$0x1];
	s2 =	srdreg.scid  }
0x3: {  	s3 =	simm.s32 $0x0;
	s12 =	stileid.u32;
	s31 =	simm.s32 $0x400  }
0x4: {  	s30 =	simm.s32 $0x50;
	s2 =	sand.u32 $0x1, s2;
	s7 =	smul.u32 $0x14000, s12  }
0x5: {  	[smem:$0x7FF] =	sst s3;
	s5 =	sshll.u32 s12, $0x1;
	s16 =	smul.u32 $0x50000, s12  }
0x6: {  	s4 =	sadd.s32 $0x15000, s0;
	s19 =	smul.u32 $0x4E20, s12;
	s12 =	simm.s32 $0x380  }
0x7: {  	s6 =	smul.u32 $0x140000, s2;
	_ =	strace $0x8000004A;
	s8 =	sor.u32 s2, s5  }
0x8: {  	s5 =	sadd.s32 $0xB200, s0;
	s9 =	ssub.s32 $0x2, s2;
	s2 =	smul.u32 $0x2710, s2  }
0x9: {  	s8 =	smul.u32 $0x2710, s8;
	s22 =	sshrl.u32 s9, $0x1;
	s17 =	sshrl.u32 s16, $0x2  }
0xa: {  	s7 =	sadd.s32 s7, s6;
	s6 =	sadd.s32 $0x1400, s0;
	s29 =	sadd.s32 s17, s20  }
0xb: {  	s17 =	simm.s32 $0x4;
	s14 =	sadd.s32 $0x190, s8;
	[dreg:$0xf] =	wrdreg s29  }
0xc: {  	s7 =	sshrl.u32 s7, $0x3;
	s15 =	sadd.s32 $0x1E0, s8;
	[dreg:$0x3] =	wrdreg s14  }
0xd: {  	s10 =	sshrl.u32 s8, $0x3;
	s8 =	sadd.s32 $0x230, s8;
	[dreg:$0x4] =	wrdreg s15  }
0xe: {  	s21 =	sadd.s32 $0x2800, s29;
	s0 =	sadd.s32 s7, s0;
	[dreg:$0x5] =	wrdreg s8  }
0xf: {  	s7 =	ssub.s32 s9, s22;
	s23 =	sadd.s32 s5, s10;
	[dreg:$0x11] =	wrdreg s21  }
0x10: {  	s24 =	sadd.s32 $0xA, s10;
	s11 =	sadd.s32 s6, s10;
	[dreg:$0x6] =	wrdreg s23  }
0x11: {  	s26 =	sadd.s32 $0x14, s10;
	s22 =	sadd.s32 $0x5000, s29;
	[dreg:$0x7] =	wrdreg s11  }
0x12: {  	s1 =	sadd.s32 $0x1E, s10;
	s25 =	sadd.s32 s5, s24;
	[dreg:$0x12] =	wrdreg s22  }
0x13: {  	s8 =	simm.s32 $0x100;
	s9 =	sadd.s32 s6, s24;
	[dreg:$0x8] =	wrdreg s25  }
0x14: {  	s10 =	simm.s32 $0x5400;
	s28 =	sadd.s32 s5, s26;
	[dreg:$0x9] =	wrdreg s9  }
0x15: {  	s14 =	simm.s32 $0x2;
	s11 =	sadd.s32 s6, s26;
	[dreg:$0xa] =	wrdreg s28  }
0x16: {  	s15 =	simm.s32 $0x3;
	s13 =	sadd.s32 s5, s1;
	[dreg:$0xb] =	wrdreg s11  }
0x17: {  	s21 =	simm.s32 $0xA;
	s0 =	sadd.s32 $0x3D000, s0;
	[dreg:$0xc] =	wrdreg s13  }
0x18: {  	s18 =	smax.u32 s7, $0x1;
	s23 =	sadd.s32 $0x7800, s29;
	[dreg:$0xe] =	wrdreg s0  }
0x19: {  	s24 =	sadd.s32 $0xA000, s29;
	s26 =	sadd.s32 $0xF000, s29;
	[dreg:$0x10] =	wrdreg s18  }
0x1a: {  	s7 =	simm.s32 $0x280;
	s22 =	simm.s32 $0x7;
	[dreg:$0x13] =	wrdreg s23  }
0x1b: {  	s9 =	sadd.s32 s6, s1;
	[dreg:$0x14] =	wrdreg s24;
	s25 =	sadd.s32 $0xC800, s29  }
0x1c: {  	[dreg:$0x16] =	wrdreg s26;
	s0 =	sadd.s32 s2, s19;
	s28 =	sadd.s32 $0x11800, s29  }
0x1d: {  	s13 =	simm.s32 $0x1;
	s18 =	simm.s32 $0x5;
	s19 =	simm.s32 $0x9  }
0x1e: {  	s1 =	simm.s32 $0x6;
	s23 =	simm.s32 $0xB;
	[dreg:$0xd] =	wrdreg s9  }
0x1f: {  	s24 =	simm.s32 $0x8;
	s2 =	simm.s32 $0x0;
	[dreg:$0x15] =	wrdreg s25  }
0x20: {  	[dreg:$0x17] =	wrdreg s28;
	s0 =	sadd.s32 $0x140, s0;
	s9 =	simm.s32 $0x300  }
0x21: {  	v0 =	vimm.f32 $0.0e+00;
	s25 =	simm.s32 $0xC;
	[dreg:$0x18] =	wrdreg s0;
	s0 =	simm.s32 $0xD  }
.LBB2_1:
0x22: {  	[dreg:$0x19] =	wrdreg s2;
	s16 =	simm.s32 $0x0;
	s26 =	simm.s32 $0x200  }
.LBB2_2:
0x23: {  	p0 =	sne.s32 s26, $0x9E00;
	[tilespmem:s16+$0x470] =	vst v0  }
0x24: {  	[tilespmem:s16+$0x400] =	vst v0  }
0x25: {  	[tilespmem:s16+$0x410] =	vst v0  }
.Ltmp0:
0x26: {  	[tilespmem:s16+$0x420] =	vst v0;
	(pc) =	sbr.rel @p0 .LBB2_2-.Ltmp0, $4  }
0x27: {  	[tilespmem:s16+$0x430] =	vst v0  }
0x28: {  	[tilespmem:s16+$0x440] =	vst v0  }
0x29: {  	[tilespmem:s16+$0x450] =	vst v0  }
0x2a: {  	[tilespmem:s16+$0x460] =	vst v0;
	s16 =	sshra.s32 s26, $0x2;
	s26 =	sadd.s32 $0x200, s26  }
0x2b: {  	[tilespmem:s16+$0x470] =	vst v0  }
0x2c: {  	[tilespmem:s16+$0x400] =	vst v0  }
0x2d: {  	[tilespmem:s16+$0x410] =	vst v0  }
0x2e: {  	[tilespmem:s16+$0x420] =	vst v0  }
0x2f: {  	[tilespmem:s16+$0x430] =	vst v0  }
0x30: {  	[tilespmem:s16+$0x440] =	vst v0  }
0x31: {  	[tilespmem:s16+$0x450] =	vst v0  }
0x32: {  	[tilespmem:s16+$0x460] =	vst v0  }
0x33: {  	[spmem:s29] =	stream.linear.scatter [tilespmem:s31], [sflag:$0xD], $0x2800, $0x38;
	[tilespmem:$0x1E400] =	vst v63  }
0x34: {  	_ =	swait.ge [sflag:s0], $0x2800  }
0x35: {  	[sflag:s0] =	ssyncset.done $0x0  }
0x36: {  	s26 =	rddreg [dreg:$0x11];
	[sflag:s0] =	ssyncadd.s32 $0xFFFFD800  }
0x37: {  	[spmem:s26] =	stream.linear.scatter [tilespmem:s31], [sflag:$0xD], $0x2800, $0x38;
	[tilespmem:$0x1E400] =	vst v63  }
0x38: {  	_ =	swait.ge [sflag:s0], $0x2800  }
0x39: {  	[sflag:s0] =	ssyncset.done $0x0  }
0x3a: {  	s29 =	rddreg [dreg:$0x12];
	[sflag:s0] =	ssyncadd.s32 $0xFFFFD800  }
0x3b: {  	[spmem:s29] =	stream.linear.scatter [tilespmem:s31], [sflag:$0xD], $0x2800, $0x38;
	[tilespmem:$0x1E400] =	vst v63  }
0x3c: {  	_ =	swait.ge [sflag:s0], $0x2800  }
0x3d: {  	[sflag:s0] =	ssyncset.done $0x0  }
0x3e: {  	s2 =	rddreg [dreg:$0x13];
	[sflag:s0] =	ssyncadd.s32 $0xFFFFD800  }
0x3f: {  	[spmem:s2] =	stream.linear.scatter [tilespmem:s31], [sflag:$0xD], $0x2800, $0x38;
	[tilespmem:$0x1E400] =	vst v63  }
0x40: {  	_ =	swait.ge [sflag:s0], $0x2800  }
0x41: {  	[sflag:s0] =	ssyncset.done $0x0  }
0x42: {  	s11 =	rddreg [dreg:$0x14];
	[sflag:s0] =	ssyncadd.s32 $0xFFFFD800  }
0x43: {  	[spmem:s11] =	stream.linear.scatter [tilespmem:s31], [sflag:$0xD], $0x2800, $0x38;
	[tilespmem:$0x1E400] =	vst v63  }
0x44: {  	_ =	swait.ge [sflag:s0], $0x2800  }
0x45: {  	[sflag:s0] =	ssyncset.done $0x0  }
0x46: {  	s26 =	rddreg [dreg:$0x15];
	[sflag:s0] =	ssyncadd.s32 $0xFFFFD800  }
0x47: {  	[spmem:s26] =	stream.linear.scatter [tilespmem:s31], [sflag:$0xD], $0x2800, $0x38;
	[tilespmem:$0x1E400] =	vst v63  }
0x48: {  	_ =	swait.ge [sflag:s0], $0x2800  }
0x49: {  	[sflag:s0] =	ssyncset.done $0x0  }
0x4a: {  	s29 =	rddreg [dreg:$0x16];
	[sflag:s0] =	ssyncadd.s32 $0xFFFFD800  }
0x4b: {  	[spmem:s29] =	stream.linear.scatter [tilespmem:s31], [sflag:$0xD], $0x2800, $0x38;
	[tilespmem:$0x1E400] =	vst v63  }
0x4c: {  	_ =	swait.ge [sflag:s0], $0x2800  }
0x4d: {  	[sflag:s0] =	ssyncset.done $0x0  }
0x4e: {  	s2 =	rddreg [dreg:$0x17];
	[sflag:s0] =	ssyncadd.s32 $0xFFFFD800  }
0x4f: {  	[spmem:s2] =	stream.linear.scatter [tilespmem:s31], [sflag:$0xD], $0x2800, $0x38;
	[tilespmem:$0x1E400] =	vst v63  }
0x50: {  	_ =	swait.ge [sflag:s0], $0x2800  }
0x51: {  	[sflag:s0] =	ssyncset.done $0x0  }
0x52: {  	[sflag:s0] =	ssyncadd.s32 $0xFFFFD800  }
0x53: {  	[bflag:$0x0] =	sbarrier.arrive $0xFFFF  }
0x54: {  	s16 =	simm.s32 $0x0;
	s26 =	rddreg [dreg:$0x6]  }
0x55: {  	[tilespmem:s16], [sflag:$0xD] =	stream.linear.gather [hbm4b:s26+s16], $0x50, $0x38;
	[tilespmem:$0x1E400] =	vst v63  }
0x56: {  	_ =	swait.ge [sflag:s0], $0x50  }
0x57: {  	[sflag:s0] =	ssyncset.done $0x0  }
0x58: {  	s2 =	simm.s32 $0x200;
	s11 =	rddreg [dreg:$0x7];
	[sflag:s0] =	ssyncadd.s32 $0xFFFFFFB0  }
0x59: {  	[tilespmem:s2], [sflag:$0xD] =	stream.linear.gather [hbm4b:s11+s16], $0x50, $0x38;
	[tilespmem:$0x1E400] =	vst v63  }
0x5a: {  	_ =	swait.ge [sflag:s0], $0x50  }
0x5b: {  	[sflag:s0] =	ssyncset.done $0x0  }
0x5c: {  	[sflag:s0] =	ssyncadd.s32 $0xFFFFFFB0  }
0x5d: {  	[tilespmem:s31], [sflag:$0x1] =	stream.indirect.gather [hbm4b:s4+s30], $0x80, s16, s30, $0xb8;
	[tilespmem:$0x1E400] =	vst v63  }
0x5e: {  	s2 =	simm.s32 $0x80;
	s29 =	rddreg [dreg:$0x8]  }
0x5f: {  	[tilespmem:s2], [sflag:$0xD] =	stream.linear.gather [hbm4b:s29+s16], $0x50, $0x38;
	[tilespmem:$0x1E400] =	vst v63  }
0x60: {  	_ =	swait.ge [sflag:s0], $0x50  }
0x61: {  	[sflag:s0] =	ssyncset.done $0x0  }
0x62: {  	s11 =	rddreg [dreg:$0x9];
	[sflag:s0] =	ssyncadd.s32 $0xFFFFFFB0  }
0x63: {  	[tilespmem:s7], [sflag:$0xD] =	stream.linear.gather [hbm4b:s11+s16], $0x50, $0x38;
	[tilespmem:$0x1E400] =	vst v63  }
0x64: {  	_ =	swait.ge [sflag:s0], $0x50  }
0x65: {  	[sflag:s0] =	ssyncset.done $0x0  }
0x66: {  	s11 =	simm.s32 $0x2C00;
	[sflag:s0] =	ssyncadd.s32 $0xFFFFFFB0  }
0x67: {  	[tilespmem:s11], [sflag:$0x2] =	stream.indirect.gather [hbm4b:s4+s30], $0x80, s2, s30, $0xb8;
	[tilespmem:$0x1E400] =	vst v63  }
0x68: {  	s29 =	rddreg [dreg:$0xa]  }
0x69: {  	[tilespmem:s8], [sflag:$0xD] =	stream.linear.gather [hbm4b:s29+s16], $0x50, $0x38;
	[tilespmem:$0x1E400] =	vst v63  }
0x6a: {  	_ =	swait.ge [sflag:s0], $0x50  }
0x6b: {  	[sflag:s0] =	ssyncset.done $0x0  }
0x6c: {  	s11 =	rddreg [dreg:$0xb];
	[sflag:s0] =	ssyncadd.s32 $0xFFFFFFB0  }
0x6d: {  	[tilespmem:s9], [sflag:$0xD] =	stream.linear.gather [hbm4b:s11+s16], $0x50, $0x38;
	[tilespmem:$0x1E400] =	vst v63  }
0x6e: {  	_ =	swait.ge [sflag:s0], $0x50  }
0x6f: {  	[sflag:s0] =	ssyncset.done $0x0  }
0x70: {  	[sflag:s0] =	ssyncadd.s32 $0xFFFFFFB0  }
0x71: {  	[tilespmem:s10], [sflag:$0x3] =	stream.indirect.gather [hbm4b:s4+s30], $0x80, s8, s30, $0xb8;
	[tilespmem:$0x1E400] =	vst v63  }
0x72: {  	s11 =	simm.s32 $0x180;
	s29 =	rddreg [dreg:$0xc]  }
0x73: {  	[tilespmem:s11], [sflag:$0xD] =	stream.linear.gather [hbm4b:s29+s16], $0x50, $0x38;
	[tilespmem:$0x1E400] =	vst v63  }
0x74: {  	_ =	swait.ge [sflag:s0], $0x50  }
0x75: {  	[sflag:s0] =	ssyncset.done $0x0  }
0x76: {  	s29 =	rddreg [dreg:$0xd];
	[sflag:s0] =	ssyncadd.s32 $0xFFFFFFB0  }
0x77: {  	[tilespmem:s12], [sflag:$0xD] =	stream.linear.gather [hbm4b:s29+s16], $0x50, $0x38;
	[tilespmem:$0x1E400] =	vst v63  }
0x78: {  	_ =	swait.ge [sflag:s0], $0x50  }
0x79: {  	[sflag:s0] =	ssyncset.done $0x0  }
0x7a: {  	s29 =	simm.s32 $0x7C00;
	[sflag:s0] =	ssyncadd.s32 $0xFFFFFFB0  }
0x7b: {  	[tilespmem:s29], [sflag:$0x4] =	stream.indirect.gather [hbm4b:s4+s30], $0x80, s11, s30, $0xb8;
	[tilespmem:$0x1E400] =	vst v63  }
0x7c: {  	_ =	swait.ge [sflag:s13], $0x2800  }
0x7d: {  	[sflag:s13] =	ssyncset.done $0x0  }
0x7e: {  	s0 =	simm.s32 $0x200;
	[sflag:s13] =	ssyncadd.s32 $0xFFFFD800  }
0x7f: {  	[spmem:s20] =	stream.indirect.scatter.add.f32 [tilespmem:s31], [sflag:$0x5], $0x80, s0, s30, $0xb8;
	[tilespmem:$0x1E400] =	vst v63  }
0x80: {  	_ =	swait.ge [sflag:s14], $0x2800  }
0x81: {  	[sflag:s14] =	ssyncset.done $0x0  }
0x82: {  	s28 =	simm.s32 $0x2C00;
	[sflag:s14] =	ssyncadd.s32 $0xFFFFD800  }
0x83: {  	[spmem:s20] =	stream.indirect.scatter.add.f32 [tilespmem:s28], [sflag:$0x6], $0x80, s7, s30, $0xb8;
	[tilespmem:$0x1E400] =	vst v63  }
0x84: {  	_ =	swait.ge [sflag:s15], $0x2800  }
0x85: {  	[sflag:s15] =	ssyncset.done $0x0  }
0x86: {  	[sflag:s15] =	ssyncadd.s32 $0xFFFFD800  }
0x87: {  	[spmem:s20] =	stream.indirect.scatter.add.f32 [tilespmem:s10], [sflag:$0x7], $0x80, s9, s30, $0xb8;
	[tilespmem:$0x1E400] =	vst v63  }
0x88: {  	_ =	swait.ge [sflag:s17], $0x2800  }
0x89: {  	[sflag:s17] =	ssyncset.done $0x0  }
0x8a: {  	[sflag:s17] =	ssyncadd.s32 $0xFFFFD800  }
0x8b: {  	[spmem:s20] =	stream.indirect.scatter.add.f32 [tilespmem:s29], [sflag:$0x8], $0x80, s12, s30, $0xb8;
	[tilespmem:$0x1E400] =	vst v63  }
0x8c: {  	_ =	swait.ge [sflag:s18], $0x2800  }
0x8d: {  	s29 =	rddreg [dreg:$0x18]  }
0x8e: {  	[sflag:s18] =	ssyncset.done $0x0;
	s9 =	sshrl.u32 s29, $0x3  }
0x8f: {  	[sflag:s18] =	ssyncadd.s32 $0xFFFFD800;
	s28 =	sadd.s32 s5, s9  }
0x90: {  	[tilespmem:s3], [sflag:$0x9] =	stream.linear.gather [hbm4b:s28+s3], $0x50, $0x38;
	[tilespmem:$0x1E400] =	vst v63  }
0x91: {  	s26 =	sadd.s32 s6, s9  }
0x92: {  	[tilespmem:s0], [sflag:$0x9] =	stream.linear.gather [hbm4b:s26+s3], $0x50, $0x38;
	[tilespmem:$0x1E400] =	vst v63  }
0x93: {  	_ =	swait.ge [sflag:s19], $0x50  }
0x94: {  	[sflag:s19] =	ssyncset.done $0x0  }
0x95: {  	[sflag:s19] =	ssyncadd.s32 $0xFFFFFFB0  }
0x96: {  	_ =	swait.ge [sflag:s19], $0x50  }
0x97: {  	[sflag:s19] =	ssyncset.done $0x0  }
0x98: {  	s17 =	smin.u32 s16, $0x77;
	[sflag:s19] =	ssyncadd.s32 $0xFFFFFFB0  }
0x99: {  	[tilespmem:s31], [sflag:$0x1] =	stream.indirect.gather [hbm4b:s4+s30], $0x80, s3, s30, $0xb8;
	[tilespmem:$0x1E400] =	vst v63  }
0x9a: {  	s26 =	smul.u32 $0x50, s17;
	_ =	swait.ge [sflag:s1], $0x2800  }
0x9b: {  	s28 =	rddreg [dreg:$0x3]  }
0x9c: {  	s26 =	sadd.s32 s26, s28  }
0x9d: {  	[sflag:s1] =	ssyncset.done $0x0;
	s26 =	sshrl.u32 s26, $0x3  }
0x9e: {  	[sflag:s1] =	ssyncadd.s32 $0xFFFFD800;
	s28 =	sadd.s32 s5, s26  }
0x9f: {  	[tilespmem:s2], [sflag:$0xA] =	stream.linear.gather [hbm4b:s28+s3], $0x50, $0x38;
	[tilespmem:$0x1E400] =	vst v63  }
0xa0: {  	s10 =	simm.s32 $0x280;
	s26 =	sadd.s32 s6, s26  }
0xa1: {  	[tilespmem:s10], [sflag:$0xA] =	stream.linear.gather [hbm4b:s26+s3], $0x50, $0x38;
	[tilespmem:$0x1E400] =	vst v63  }
0xa2: {  	_ =	swait.ge [sflag:s21], $0x50  }
0xa3: {  	[sflag:s21] =	ssyncset.done $0x0  }
0xa4: {  	[sflag:s21] =	ssyncadd.s32 $0xFFFFFFB0  }
0xa5: {  	_ =	swait.ge [sflag:s21], $0x50  }
0xa6: {  	[sflag:s21] =	ssyncset.done $0x0  }
0xa7: {  	s13 =	simm.s32 $0x2C00;
	s18 =	smin.u32 s16, $0x76;
	[sflag:s21] =	ssyncadd.s32 $0xFFFFFFB0  }
0xa8: {  	[tilespmem:s13], [sflag:$0x2] =	stream.indirect.gather [hbm4b:s4+s30], $0x80, s2, s30, $0xb8;
	[tilespmem:$0x1E400] =	vst v63  }
0xa9: {  	s26 =	smul.u32 $0x50, s18;
	_ =	swait.ge [sflag:s22], $0x2800  }
0xaa: {  	s28 =	rddreg [dreg:$0x4]  }
0xab: {  	s26 =	sadd.s32 s26, s28  }
0xac: {  	[sflag:s22] =	ssyncset.done $0x0;
	s26 =	sshrl.u32 s26, $0x3  }
0xad: {  	[sflag:s22] =	ssyncadd.s32 $0xFFFFD800;
	s28 =	sadd.s32 s5, s26  }
0xae: {  	[tilespmem:s8], [sflag:$0xB] =	stream.linear.gather [hbm4b:s28+s3], $0x50, $0x38;
	[tilespmem:$0x1E400] =	vst v63  }
0xaf: {  	s12 =	simm.s32 $0x300;
	s26 =	sadd.s32 s6, s26  }
0xb0: {  	[tilespmem:s12], [sflag:$0xB] =	stream.linear.gather [hbm4b:s26+s3], $0x50, $0x38;
	[tilespmem:$0x1E400] =	vst v63  }
0xb1: {  	_ =	swait.ge [sflag:s23], $0x50  }
0xb2: {  	[sflag:s23] =	ssyncset.done $0x0  }
0xb3: {  	[sflag:s23] =	ssyncadd.s32 $0xFFFFFFB0  }
0xb4: {  	_ =	swait.ge [sflag:s23], $0x50  }
0xb5: {  	[sflag:s23] =	ssyncset.done $0x0  }
0xb6: {  	s14 =	simm.s32 $0x5400;
	s16 =	smin.u32 s16, $0x75;
	[sflag:s23] =	ssyncadd.s32 $0xFFFFFFB0  }
0xb7: {  	[tilespmem:s14], [sflag:$0x3] =	stream.indirect.gather [hbm4b:s4+s30], $0x80, s8, s30, $0xb8;
	[tilespmem:$0x1E400] =	vst v63  }
0xb8: {  	s16 =	smul.u32 $0x50, s16;
	_ =	swait.ge [sflag:s24], $0x2800  }
0xb9: {  	s22 =	rddreg [dreg:$0x5]  }
0xba: {  	s16 =	sadd.s32 s16, s22  }
0xbb: {  	[sflag:s24] =	ssyncset.done $0x0;
	s16 =	sshrl.u32 s16, $0x3  }
0xbc: {  	[sflag:s24] =	ssyncadd.s32 $0xFFFFD800;
	s24 =	sadd.s32 s5, s16  }
0xbd: {  	[tilespmem:s11], [sflag:$0xC] =	stream.linear.gather [hbm4b:s24+s3], $0x50, $0x38;
	[tilespmem:$0x1E400] =	vst v63  }
0xbe: {  	s15 =	simm.s32 $0x380;
	s16 =	sadd.s32 s6, s16  }
0xbf: {  	[tilespmem:s15], [sflag:$0xC] =	stream.linear.gather [hbm4b:s16+s3], $0x50, $0x38;
	[tilespmem:$0x1E400] =	vst v63  }
0xc0: {  	_ =	swait.ge [sflag:s25], $0x50  }
0xc1: {  	s7 =	simm.s32 $0x8;
	s17 =	simm.s32 $0x3;
	[sflag:s25] =	ssyncset.done $0x0  }
0xc2: {  	s18 =	simm.s32 $0x4;
	s2 =	simm.s32 $0x2C00;
	[sflag:s25] =	ssyncadd.s32 $0xFFFFFFB0  }
0xc3: {  	s28 =	sadd.s32 $0x140, s29;
	s14 =	simm.s32 $0x1;
	_ =	swait.ge [sflag:s25], $0x50  }
0xc4: {  	s22 =	simm.s32 $0x6;
	s24 =	simm.s32 $0x7;
	[sflag:s25] =	ssyncset.done $0x0  }
0xc5: {  	s16 =	simm.s32 $0x4;
	s15 =	simm.s32 $0x2;
	[sflag:s25] =	ssyncadd.s32 $0xFFFFFFB0  }
.LBB2_4:
0xc6: {  	s11 =	simm.s32 $0x180;
	s8 =	simm.s32 $0x7C00  }
0xc7: {  	[tilespmem:s8], [sflag:$0x4] =	stream.indirect.gather [hbm4b:s4+s30], $0x80, s11, s30, $0xb8;
	[tilespmem:$0x1E400] =	vst v63  }
0xc8: {  	_ =	swait.ge [sflag:s14], $0x2800  }
0xc9: {  	[sflag:s14] =	ssyncset.done $0x0  }
0xca: {  	[sflag:s14] =	ssyncadd.s32 $0xFFFFD800  }
0xcb: {  	[spmem:s20] =	stream.indirect.scatter.add.f32 [tilespmem:s31], [sflag:$0x5], $0x80, s0, s30, $0xb8;
	[tilespmem:$0x1E400] =	vst v63  }
0xcc: {  	_ =	swait.ge [sflag:s15], $0x2800  }
0xcd: {  	[sflag:s15] =	ssyncset.done $0x0  }
0xce: {  	s13 =	simm.s32 $0x280;
	[sflag:s15] =	ssyncadd.s32 $0xFFFFD800  }
0xcf: {  	[spmem:s20] =	stream.indirect.scatter.add.f32 [tilespmem:s2], [sflag:$0x6], $0x80, s13, s30, $0xb8;
	[tilespmem:$0x1E400] =	vst v63  }
0xd0: {  	_ =	swait.ge [sflag:s17], $0x2800  }
0xd1: {  	[sflag:s17] =	ssyncset.done $0x0  }
0xd2: {  	s10 =	simm.s32 $0x300;
	s12 =	simm.s32 $0x5400;
	[sflag:s17] =	ssyncadd.s32 $0xFFFFD800  }
0xd3: {  	[spmem:s20] =	stream.indirect.scatter.add.f32 [tilespmem:s12], [sflag:$0x7], $0x80, s10, s30, $0xb8;
	[tilespmem:$0x1E400] =	vst v63  }
0xd4: {  	_ =	swait.ge [sflag:s18], $0x2800  }
0xd5: {  	[sflag:s18] =	ssyncset.done $0x0  }
0xd6: {  	s1 =	simm.s32 $0x380;
	[sflag:s18] =	ssyncadd.s32 $0xFFFFD800  }
0xd7: {  	[spmem:s20] =	stream.indirect.scatter.add.f32 [tilespmem:s8], [sflag:$0x8], $0x80, s1, s30, $0xb8;
	[tilespmem:$0x1E400] =	vst v63  }
0xd8: {  	s8 =	simm.s32 $0x5  }
0xd9: {  	_ =	swait.ge [sflag:s8], $0x2800  }
0xda: {  	s29 =	sshrl.u32 s28, $0x3;
	[sflag:s8] =	ssyncset.done $0x0  }
0xdb: {  	s31 =	sadd.s32 s5, s29;
	[sflag:s8] =	ssyncadd.s32 $0xFFFFD800  }
0xdc: {  	[tilespmem:s3], [sflag:$0x9] =	stream.linear.gather [hbm4b:s31+s3], $0x50, $0x38;
	[tilespmem:$0x1E400] =	vst v63  }
0xdd: {  	s29 =	sadd.s32 s6, s29;
	s2 =	simm.s32 $0x200  }
0xde: {  	[tilespmem:s2], [sflag:$0x9] =	stream.linear.gather [hbm4b:s29+s3], $0x50, $0x38;
	[tilespmem:$0x1E400] =	vst v63  }
0xdf: {  	_ =	swait.ge [sflag:s19], $0x50  }
0xe0: {  	[sflag:s19] =	ssyncset.done $0x0  }
0xe1: {  	[sflag:s19] =	ssyncadd.s32 $0xFFFFFFB0  }
0xe2: {  	_ =	swait.ge [sflag:s19], $0x50  }
0xe3: {  	s26 =	smov.u32 s16;
	[sflag:s19] =	ssyncset.done $0x0  }
0xe4: {  	s0 =	simm.s32 $0x400;
	s29 =	smin.u32 s26, $0x77;
	[sflag:s19] =	ssyncadd.s32 $0xFFFFFFB0  }
0xe5: {  	[tilespmem:s0], [sflag:$0x1] =	stream.indirect.gather [hbm4b:s4+s30], $0x80, s3, s30, $0xb8;
	[tilespmem:$0x1E400] =	vst v63  }
0xe6: {  	s29 =	smul.u32 $0x50, s29;
	_ =	swait.ge [sflag:s22], $0x2800  }
0xe7: {  	s31 =	rddreg [dreg:$0x3]  }
0xe8: {  	s29 =	sadd.s32 s29, s31  }
0xe9: {  	[sflag:s22] =	ssyncset.done $0x0;
	s29 =	sshrl.u32 s29, $0x3  }
0xea: {  	s2 =	simm.s32 $0x80;
	[sflag:s22] =	ssyncadd.s32 $0xFFFFD800;
	s31 =	sadd.s32 s5, s29  }
0xeb: {  	[tilespmem:s2], [sflag:$0xA] =	stream.linear.gather [hbm4b:s31+s3], $0x50, $0x38;
	[tilespmem:$0x1E400] =	vst v63  }
0xec: {  	s29 =	sadd.s32 s6, s29  }
0xed: {  	[tilespmem:s13], [sflag:$0xA] =	stream.linear.gather [hbm4b:s29+s3], $0x50, $0x38;
	[tilespmem:$0x1E400] =	vst v63  }
0xee: {  	_ =	swait.ge [sflag:s21], $0x50  }
0xef: {  	[sflag:s21] =	ssyncset.done $0x0  }
0xf0: {  	[sflag:s21] =	ssyncadd.s32 $0xFFFFFFB0  }
0xf1: {  	_ =	swait.ge [sflag:s21], $0x50  }
0xf2: {  	[sflag:s21] =	ssyncset.done $0x0  }
0xf3: {  	s8 =	simm.s32 $0x2C00;
	s13 =	smin.u32 s26, $0x76;
	[sflag:s21] =	ssyncadd.s32 $0xFFFFFFB0  }
0xf4: {  	[tilespmem:s8], [sflag:$0x2] =	stream.indirect.gather [hbm4b:s4+s30], $0x80, s2, s30, $0xb8;
	[tilespmem:$0x1E400] =	vst v63  }
0xf5: {  	s29 =	smul.u32 $0x50, s13;
	_ =	swait.ge [sflag:s24], $0x2800  }
0xf6: {  	s31 =	rddreg [dreg:$0x4]  }
0xf7: {  	s29 =	sadd.s32 s29, s31  }
0xf8: {  	[sflag:s24] =	ssyncset.done $0x0;
	s29 =	sshrl.u32 s29, $0x3  }
0xf9: {  	s8 =	simm.s32 $0x100;
	[sflag:s24] =	ssyncadd.s32 $0xFFFFD800;
	s31 =	sadd.s32 s5, s29  }
0xfa: {  	[tilespmem:s8], [sflag:$0xB] =	stream.linear.gather [hbm4b:s31+s3], $0x50, $0x38;
	[tilespmem:$0x1E400] =	vst v63  }
0xfb: {  	s29 =	sadd.s32 s6, s29  }
0xfc: {  	[tilespmem:s10], [sflag:$0xB] =	stream.linear.gather [hbm4b:s29+s3], $0x50, $0x38;
	[tilespmem:$0x1E400] =	vst v63  }
0xfd: {  	_ =	swait.ge [sflag:s23], $0x50  }
0xfe: {  	[sflag:s23] =	ssyncset.done $0x0  }
0xff: {  	[sflag:s23] =	ssyncadd.s32 $0xFFFFFFB0  }
0x100: {  	_ =	swait.ge [sflag:s23], $0x50  }
0x101: {  	[sflag:s23] =	ssyncset.done $0x0  }
0x102: {  	s26 =	smin.u32 s26, $0x75;
	[sflag:s23] =	ssyncadd.s32 $0xFFFFFFB0  }
0x103: {  	[tilespmem:s12], [sflag:$0x3] =	stream.indirect.gather [hbm4b:s4+s30], $0x80, s8, s30, $0xb8;
	[tilespmem:$0x1E400] =	vst v63  }
0x104: {  	s26 =	smul.u32 $0x50, s26;
	_ =	swait.ge [sflag:s7], $0x2800  }
0x105: {  	s10 =	rddreg [dreg:$0x5]  }
0x106: {  	s26 =	sadd.s32 s26, s10  }
0x107: {  	[sflag:s7] =	ssyncset.done $0x0;
	s26 =	sshrl.u32 s26, $0x3  }
0x108: {  	[sflag:s7] =	ssyncadd.s32 $0xFFFFD800;
	s12 =	sadd.s32 s5, s26  }
0x109: {  	[tilespmem:s11], [sflag:$0xC] =	stream.linear.gather [hbm4b:s12+s3], $0x50, $0x38;
	[tilespmem:$0x1E400] =	vst v63  }
0x10a: {  	s26 =	sadd.s32 s6, s26  }
0x10b: {  	[tilespmem:s1], [sflag:$0xC] =	stream.linear.gather [hbm4b:s26+s3], $0x50, $0x38;
	[tilespmem:$0x1E400] =	vst v63  }
0x10c: {  	p0 =	sne.s32 s16, $0x78;
	_ =	swait.ge [sflag:s25], $0x50  }
.Ltmp1:
0x10d: {  	[sflag:s25] =	ssyncset.done $0x0;
	(pc) =	sbr.rel @p0 .LBB2_4-.Ltmp1, $4  }
0x10e: {  	s16 =	sadd.s32 $0x4, s16;
	[sflag:s25] =	ssyncadd.s32 $0xFFFFFFB0  }
0x10f: {  	s9 =	simm.s32 $0x7C00;
	s28 =	sadd.s32 $0x140, s28;
	_ =	swait.ge [sflag:s25], $0x50  }
0x110: {  	s0 =	simm.s32 $0x200;
	s13 =	simm.s32 $0x180;
	[sflag:s25] =	ssyncset.done $0x0  }
0x111: {  	s2 =	simm.s32 $0x2C00;
	s31 =	simm.s32 $0x400;
	[sflag:s25] =	ssyncadd.s32 $0xFFFFFFB0  }
0x112: {  	[tilespmem:s9], [sflag:$0x4] =	stream.indirect.gather [hbm4b:s4+s30], $0x80, s13, s30, $0xb8;
	[tilespmem:$0x1E400] =	vst v63  }
0x113: {  	_ =	swait.ge [sflag:s14], $0x2800  }
0x114: {  	[sflag:s14] =	ssyncset.done $0x0  }
0x115: {  	[sflag:s14] =	ssyncadd.s32 $0xFFFFD800  }
0x116: {  	[spmem:s20] =	stream.indirect.scatter.add.f32 [tilespmem:s31], [sflag:$0x5], $0x80, s0, s30, $0xb8;
	[tilespmem:$0x1E400] =	vst v63  }
0x117: {  	_ =	swait.ge [sflag:s15], $0x2800  }
0x118: {  	[sflag:s15] =	ssyncset.done $0x0  }
0x119: {  	[sflag:s15] =	ssyncadd.s32 $0xFFFFD800  }
0x11a: {  	_ =	swait.ge [sflag:s17], $0x2800  }
0x11b: {  	[sflag:s17] =	ssyncset.done $0x0  }
0x11c: {  	[sflag:s17] =	ssyncadd.s32 $0xFFFFD800  }
0x11d: {  	_ =	swait.ge [sflag:s18], $0x2800  }
0x11e: {  	[sflag:s18] =	ssyncset.done $0x0  }
0x11f: {  	s26 =	simm.s32 $0x5;
	[sflag:s18] =	ssyncadd.s32 $0xFFFFD800  }
0x120: {  	_ =	swait.ge [sflag:s26], $0x2800  }
0x121: {  	[sflag:s26] =	ssyncset.done $0x0  }
0x122: {  	s16 =	stileid.u32;
	[sflag:s26] =	ssyncadd.s32 $0xFFFFD800  }
0x123: {  	s16 =	sshll.u32 s16, $0x6;
	[bflag:$0x0] =	sbarrier.arrive $0xFFFF  }
0x124: {  	s16 =	sor.u32 $0x1C0D, s16;
	s29 =	rddreg [dreg:$0xf]  }
0x125: {  	s0 =	simm.s32 $0xD;
	s28 =	rddreg [dreg:$0xe];
	s26 =	sshrl.u32 s29, $0x3  }
0x126: {  	[hbm:s28], [sflag:s16] =	dma.local [spmem:s26], $0x2800  }
0x127: {  	_ =	swait.ge [sflag:s0], $0x2800  }
0x128: {  	s2 =	rddreg [dreg:$0x19]  }
0x129: {  	s28 =	rddreg [dreg:$0x10];
	s2 =	sadd.s32 $0x1, s2  }
0x12a: {  	p0 =	sne.s32 s2, s28  }
.Ltmp2:
0x12b: {  	s7 =	simm.s32 $0x280;
	s9 =	simm.s32 $0x300;
	(pc) =	sbr.rel @p0 .LBB2_1-.Ltmp2, $4  }
0x12c: {  	s10 =	simm.s32 $0x5400;
	s12 =	simm.s32 $0x380;
	s13 =	simm.s32 $0x1  }
0x12d: {  	s1 =	simm.s32 $0x6;
	s22 =	simm.s32 $0x7;
	s24 =	simm.s32 $0x8  }
0x12e: {  	s14 =	simm.s32 $0x2;
	s15 =	simm.s32 $0x3;
	[sflag:s0] =	ssyncset.done $0x0  }
0x12f: {  	s17 =	simm.s32 $0x4;
	s18 =	simm.s32 $0x5;
	[sflag:s0] =	ssyncadd.s32 $0xFFFFD800  }
0x130: {  	_ =	sfence.sel $0x180000  }
0x131: {  	[bflag:$0x0] =	sbarrier.arrive $0xFFFF  }
0x132: {  	_ =	strace $0x9000004A  }
0x133: {  	s0 =	stileid.u32;
	[bflag:$0x2] =	sbarrier.arrive $0xFFFF  }
0x134: {  	p0 =	sne.s32 s0, $0x0;
	s0 =	rddreg [dreg:$0x2]  }
0x135: {  	s0 =	sadd.s32 @!p0 $0x100000, s0  }
0x136: {  	[sflag:s0] =	ssyncadd.tile.s32 @!p0 $0x1;
	_ =	shalt  }
.Lfunc_end2:
_tile_overlayer_lowered:
.L_overlay_start_2:
0x137: {  	(tag) =	ssettag $0x2  }
0x138: {  	s0 =	rddreg [dreg:$0x0];
	s2 =	stileid.u32  }
0x139: {  	s1 =	rddreg [dreg:$0x1];
	p0 =	sne.s32 s2, $0x0  }
0x13a: {  	s3 =	rddreg [dreg:$0x2];
	[bflag:$0x3] =	sbarrier.arrive $0xFFFF;
	s2 =	simm.s32 @!p0 $0x1C0D  }
0x13b: {  	[timem:s3], [sflag:s2] =	dma.local @!p0 [hbm:s0], s1  }
0x13c: {  	s0 =	simm.s32 @!p0 $0xD  }
0x13d: {  	_ =	swait.ge @!p0 [sflag:s0], s1  }
0x13e: {  	s1 =	ssub.s32 @!p0 $0x0, s1;
	[sflag:s0] =	ssyncset.done @!p0 $0x0  }
0x13f: {  	[sflag:s0] =	ssyncadd.s32 @!p0 s1  }
0x140: {  	[bflag:$0x3] =	sbarrier.arrive $0xFFFF  }
0x141: {  	_ =	shalt  }

</sc_bundles>
